<compile_context>
chip_gen: v7x
topology: tpu7x:2x2x1
jax: 0.10.2.dev20260603
libtpu: 0.0.44.dev20260713+nightly
codegen_flags: <defaults>
</compile_context>

<pallas_src>
import functools

import jax
import jax.numpy as jnp
from jax import lax
from jax.experimental import pallas as pl
from jax.experimental.pallas import tpu as pltpu
from jax.experimental.pallas import tpu_sc as plsc

EMBED = 64
CHUNK = 128
K = 4


@functools.lru_cache(maxsize=None)
def _build_gather(seq: int, batch: int, vocab: int):
    mesh = plsc.VectorSubcoreMesh(core_axis_name="c", subcore_axis_name="s")
    n_workers = 32
    assert batch % (n_workers * CHUNK) == 0 or batch == n_workers * CHUNK
    n_chunks = seq
    assert n_chunks % K == 0
    n_blocks = n_chunks // K
    blk = K * CHUNK

    @functools.partial(
        pl.kernel,
        mesh=mesh,
        out_type=jax.ShapeDtypeStruct((seq * batch, 2 * EMBED), jnp.float32),
        scratch_types=[
            pltpu.VMEM((n_chunks, CHUNK), jnp.int32),
            pltpu.VMEM((2, blk, EMBED), jnp.float32),
            pltpu.SemaphoreType.DMA,
            pltpu.SemaphoreType.DMA,
        ],
        compiler_params=pltpu.CompilerParams(use_tc_tiling_on_sc=False),
    )
    def gather_kernel(table_hbm, idx_hbm, out_hbm, idx_v, rows_v, gsem, osem):
        nc = lax.axis_size("c")
        wid = lax.axis_index("s") * nc + lax.axis_index("c")
        col0 = wid * CHUNK
        pltpu.sync_copy(idx_hbm.at[:, pl.ds(col0, CHUNK)], idx_v)

        def fire(t, b):
            for k in range(K):
                pltpu.make_async_copy(
                    table_hbm.at[idx_v.at[t * K + k]],
                    rows_v.at[b, pl.ds(k * CHUNK, CHUNK)],
                    gsem,
                ).start()

        def wait_gathers(b):
            for k in range(K):
                pltpu.make_async_copy(
                    table_hbm.at[idx_v.at[k]],
                    rows_v.at[b, pl.ds(k * CHUNK, CHUNK)],
                    gsem,
                ).wait()

        def out_copies(t, b):
            return [
                pltpu.make_async_copy(
                    rows_v.at[b, pl.ds(k * CHUNK, CHUNK)],
                    out_hbm.at[
                        pl.ds((t * K + k) * batch + col0, CHUNK),
                        pl.ds(0, EMBED),
                    ],
                    osem,
                )
                for k in range(K)
            ]

        fire(0, 0)

        def step(t, carry):
            b = lax.rem(t, 2)
            def drain_prev():
                for c in out_copies(t - 1, 1 - b):
                    c.wait()

            pl.when(t >= 1)(drain_prev)
            pl.when(t < n_blocks - 1)(lambda: fire(t + 1, 1 - b))
            wait_gathers(b)
            for c in out_copies(t, b):
                c.start()
            return carry

        lax.fori_loop(0, n_blocks, step, 0)
        for c in out_copies(n_blocks - 1, (n_blocks - 1) % 2):
            c.wait()

    return gather_kernel


def kernel(x, table):
    b, s = x.shape
    vocab, embed = table.shape
    assert embed == EMBED
    xt = jnp.swapaxes(x, 0, 1).astype(jnp.int32)
    out = _build_gather(s, b, vocab)(table, xt)
    return jnp.swapaxes(out[:, :embed].reshape(s, b, embed), 0, 1)

# --- scband reference (transcript-rebuilt; emitter-appended) ---
"""Pipeline reference for scband-token-embedding-22703197126761 (READ-ONLY COPY).

The authoritative reference and input builder live on the scoring server;
editing this copy changes nothing except your own understanding.
"""

import jax, jax.numpy as jnp
import numpy as np

VOCAB = 1000000
EMBED = 64

def setup_inputs(seed: int = 0) -> dict:
    key = jax.random.key(seed)
    k_idx, k_tbl = jax.random.split(key)
    x = jax.random.randint(k_idx, (4096, 200), 0, VOCAB, dtype=jnp.int64 if jax.config.jax_enable_x64 else jnp.int32)
    table = jax.random.normal(k_tbl, (VOCAB, EMBED), dtype=jnp.float32)
    return {"x": x, "table": table}

def reference(x, table):
    # nn.Embedding forward: row gather from the embedding table
    return jnp.take(table, x, axis=0)

if __name__ == "__main__":
    import jax
    _d = setup_inputs()
    print(jax.jit(kernel)(*tuple(_d.values())))

</pallas_src>

<mosaic_0001>
#map = affine_map<(d0, d1) -> (0, 0)>
module attributes {stable_mosaic.version = 14 : i64} {
  func.func @gather_kernel(%arg0: i32, %arg1: i32, %arg2: memref<1000000x64xf32, #tpu.memory_space<hbm>>, %arg3: memref<200x4096xi32, #tpu.memory_space<hbm>>, %arg4: memref<819200x128xf32, #tpu.memory_space<hbm>>, %arg5: memref<200x128xi32, #tpu.memory_space<vmem>>, %arg6: memref<2x512x64xf32, #tpu.memory_space<vmem>>, %arg7: memref<!tpu.dma_semaphore, #tpu.memory_space<semaphore_mem>>, %arg8: memref<!tpu.dma_semaphore, #tpu.memory_space<semaphore_mem>>) attributes {dimension_semantics = [#tpu.dimension_semantics<core_parallel>, #tpu.dimension_semantics<subcore_parallel>], iteration_bounds = array<i64: 2, 16>, scalar_prefetch = 0 : i64, scratch_operands = 4 : i64, tpu.core_type = #tpu.core_type<sc_vector_subcore>, window_params = [{transform_indices = #map}, {transform_indices = #map}, {transform_indices = #map}]} {
    %mul3A = arith.constant 2 : i32
    %mul3A_0 = arith.muli %arg1, %mul3A : i32
    %add3A = arith.addi %mul3A_0, %arg0 : i32
    %mul3A_1 = arith.constant 128 : i32
    %mul3A_2 = arith.muli %add3A, %mul3A_1 : i32
    "tpu.region"() ({
      %run_scoped3A = tpu.sem_alloc : memref<!tpu.dma_semaphore, #tpu.memory_space<semaphore_mem>>
      %dma_start3A_114 = arith.constant 0 : i32
      %dma_start3A_115 = tpu.memref_slice %arg3[%dma_start3A_114, %mul3A_2] : memref<200x4096xi32, #tpu.memory_space<hbm>> -> memref<200x128xi32, #tpu.memory_space<hbm>>
      %dma_start3A_116 = arith.constant 0 : i32
      %dma_start3A_117 = tpu.memref_slice %arg3[%dma_start3A_116, %mul3A_2] : memref<200x4096xi32, #tpu.memory_space<hbm>> -> memref<200x128xi32, #tpu.memory_space<hbm>>
      tpu.enqueue_dma source(%dma_start3A_117 : memref<200x128xi32, #tpu.memory_space<hbm>>) target(%arg5 : memref<200x128xi32, #tpu.memory_space<vmem>>) target_semaphore(%run_scoped3A : memref<!tpu.dma_semaphore, #tpu.memory_space<semaphore_mem>>)
      %dma_wait3A_118 = arith.constant 0 : i32
      %dma_wait3A_119 = tpu.memref_slice %arg3[%dma_wait3A_118, %mul3A_2] : memref<200x4096xi32, #tpu.memory_space<hbm>> -> memref<200x128xi32, #tpu.memory_space<hbm>>
      %dma_wait3A_120 = arith.constant 0 : i32
      %dma_wait3A_121 = tpu.memref_slice %arg3[%dma_wait3A_120, %mul3A_2] : memref<200x4096xi32, #tpu.memory_space<hbm>> -> memref<200x128xi32, #tpu.memory_space<hbm>>
      tpu.wait_dma2 semaphore(%run_scoped3A : memref<!tpu.dma_semaphore, #tpu.memory_space<semaphore_mem>>) src(%dma_wait3A_121 : memref<200x128xi32, #tpu.memory_space<hbm>>) dst(%arg5 : memref<200x128xi32, #tpu.memory_space<vmem>>)
      tpu.yield
    }) : () -> ()
    %dma_start3A = arith.constant 0 : i32
    %dma_start3A_3 = arith.constant 0 : i32
    %dma_start3A_4 = arith.constant 0 : i32
    %dma_start3A_5 = arith.constant 0 : i32
    %dma_start3A_6 = tpu.memref_slice %arg6[%dma_start3A_3, %dma_start3A_4, %dma_start3A_5] : memref<2x512x64xf32, #tpu.memory_space<vmem>> -> memref<1x128x64xf32, #tpu.memory_space<vmem>>
    %dma_start3A_7 = tpu.memref_squeeze %dma_start3A_6 : memref<1x128x64xf32, #tpu.memory_space<vmem>> -> memref<128x64xf32, #tpu.memory_space<vmem>>
    %dma_start3A_8 = arith.constant 0 : i32
    %dma_start3A_9 = tpu.memref_slice %arg5[%dma_start3A, %dma_start3A_8] : memref<200x128xi32, #tpu.memory_space<vmem>> -> memref<1x128xi32, #tpu.memory_space<vmem>>
    %dma_start3A_10 = tpu.memref_squeeze %dma_start3A_9 : memref<1x128xi32, #tpu.memory_space<vmem>> -> memref<128xi32, #tpu.memory_space<vmem>>
    %dma_start3A_11 = arith.constant 0 : i32
    %dma_start3A_12 = arith.constant 0 : i32
    %dma_start3A_13 = tpu.memref_slice %arg2[%dma_start3A_11, %dma_start3A_12] : memref<1000000x64xf32, #tpu.memory_space<hbm>> -> memref<1000000x64xf32, #tpu.memory_space<hbm>>
    tpu.enqueue_indirect_dma source(%dma_start3A_13 : memref<1000000x64xf32, #tpu.memory_space<hbm>>) target(%dma_start3A_7 : memref<128x64xf32, #tpu.memory_space<vmem>>) offsets(%dma_start3A_10 : memref<128xi32, #tpu.memory_space<vmem>>) semaphore(%arg7 : memref<!tpu.dma_semaphore, #tpu.memory_space<semaphore_mem>>)
    %dma_start3A_14 = arith.constant 1 : i32
    %dma_start3A_15 = arith.constant 0 : i32
    %dma_start3A_16 = arith.constant 128 : i32
    %dma_start3A_17 = arith.constant 0 : i32
    %dma_start3A_18 = tpu.memref_slice %arg6[%dma_start3A_15, %dma_start3A_16, %dma_start3A_17] : memref<2x512x64xf32, #tpu.memory_space<vmem>> -> memref<1x128x64xf32, #tpu.memory_space<vmem>>
    %dma_start3A_19 = tpu.memref_squeeze %dma_start3A_18 : memref<1x128x64xf32, #tpu.memory_space<vmem>> -> memref<128x64xf32, #tpu.memory_space<vmem>>
    %dma_start3A_20 = arith.constant 0 : i32
    %dma_start3A_21 = tpu.memref_slice %arg5[%dma_start3A_14, %dma_start3A_20] : memref<200x128xi32, #tpu.memory_space<vmem>> -> memref<1x128xi32, #tpu.memory_space<vmem>>
    %dma_start3A_22 = tpu.memref_squeeze %dma_start3A_21 : memref<1x128xi32, #tpu.memory_space<vmem>> -> memref<128xi32, #tpu.memory_space<vmem>>
    %dma_start3A_23 = arith.constant 0 : i32
    %dma_start3A_24 = arith.constant 0 : i32
    %dma_start3A_25 = tpu.memref_slice %arg2[%dma_start3A_23, %dma_start3A_24] : memref<1000000x64xf32, #tpu.memory_space<hbm>> -> memref<1000000x64xf32, #tpu.memory_space<hbm>>
    tpu.enqueue_indirect_dma source(%dma_start3A_25 : memref<1000000x64xf32, #tpu.memory_space<hbm>>) target(%dma_start3A_19 : memref<128x64xf32, #tpu.memory_space<vmem>>) offsets(%dma_start3A_22 : memref<128xi32, #tpu.memory_space<vmem>>) semaphore(%arg7 : memref<!tpu.dma_semaphore, #tpu.memory_space<semaphore_mem>>)
    %dma_start3A_26 = arith.constant 2 : i32
    %dma_start3A_27 = arith.constant 0 : i32
    %dma_start3A_28 = arith.constant 256 : i32
    %dma_start3A_29 = arith.constant 0 : i32
    %dma_start3A_30 = tpu.memref_slice %arg6[%dma_start3A_27, %dma_start3A_28, %dma_start3A_29] : memref<2x512x64xf32, #tpu.memory_space<vmem>> -> memref<1x128x64xf32, #tpu.memory_space<vmem>>
    %dma_start3A_31 = tpu.memref_squeeze %dma_start3A_30 : memref<1x128x64xf32, #tpu.memory_space<vmem>> -> memref<128x64xf32, #tpu.memory_space<vmem>>
    %dma_start3A_32 = arith.constant 0 : i32
    %dma_start3A_33 = tpu.memref_slice %arg5[%dma_start3A_26, %dma_start3A_32] : memref<200x128xi32, #tpu.memory_space<vmem>> -> memref<1x128xi32, #tpu.memory_space<vmem>>
    %dma_start3A_34 = tpu.memref_squeeze %dma_start3A_33 : memref<1x128xi32, #tpu.memory_space<vmem>> -> memref<128xi32, #tpu.memory_space<vmem>>
    %dma_start3A_35 = arith.constant 0 : i32
    %dma_start3A_36 = arith.constant 0 : i32
    %dma_start3A_37 = tpu.memref_slice %arg2[%dma_start3A_35, %dma_start3A_36] : memref<1000000x64xf32, #tpu.memory_space<hbm>> -> memref<1000000x64xf32, #tpu.memory_space<hbm>>
    tpu.enqueue_indirect_dma source(%dma_start3A_37 : memref<1000000x64xf32, #tpu.memory_space<hbm>>) target(%dma_start3A_31 : memref<128x64xf32, #tpu.memory_space<vmem>>) offsets(%dma_start3A_34 : memref<128xi32, #tpu.memory_space<vmem>>) semaphore(%arg7 : memref<!tpu.dma_semaphore, #tpu.memory_space<semaphore_mem>>)
    %dma_start3A_38 = arith.constant 3 : i32
    %dma_start3A_39 = arith.constant 0 : i32
    %dma_start3A_40 = arith.constant 384 : i32
    %dma_start3A_41 = arith.constant 0 : i32
    %dma_start3A_42 = tpu.memref_slice %arg6[%dma_start3A_39, %dma_start3A_40, %dma_start3A_41] : memref<2x512x64xf32, #tpu.memory_space<vmem>> -> memref<1x128x64xf32, #tpu.memory_space<vmem>>
    %dma_start3A_43 = tpu.memref_squeeze %dma_start3A_42 : memref<1x128x64xf32, #tpu.memory_space<vmem>> -> memref<128x64xf32, #tpu.memory_space<vmem>>
    %dma_start3A_44 = arith.constant 0 : i32
    %dma_start3A_45 = tpu.memref_slice %arg5[%dma_start3A_38, %dma_start3A_44] : memref<200x128xi32, #tpu.memory_space<vmem>> -> memref<1x128xi32, #tpu.memory_space<vmem>>
    %dma_start3A_46 = tpu.memref_squeeze %dma_start3A_45 : memref<1x128xi32, #tpu.memory_space<vmem>> -> memref<128xi32, #tpu.memory_space<vmem>>
    %dma_start3A_47 = arith.constant 0 : i32
    %dma_start3A_48 = arith.constant 0 : i32
    %dma_start3A_49 = tpu.memref_slice %arg2[%dma_start3A_47, %dma_start3A_48] : memref<1000000x64xf32, #tpu.memory_space<hbm>> -> memref<1000000x64xf32, #tpu.memory_space<hbm>>
    tpu.enqueue_indirect_dma source(%dma_start3A_49 : memref<1000000x64xf32, #tpu.memory_space<hbm>>) target(%dma_start3A_43 : memref<128x64xf32, #tpu.memory_space<vmem>>) offsets(%dma_start3A_46 : memref<128xi32, #tpu.memory_space<vmem>>) semaphore(%arg7 : memref<!tpu.dma_semaphore, #tpu.memory_space<semaphore_mem>>)
    %scan3A = arith.constant 0 : i32
    %scan3A_50 = arith.constant 0 : i32
    %scan3A_51 = arith.constant 50 : i32
    %scan3A_52 = arith.addi %scan3A_50, %scan3A_51 : i32
    %scan3A_53 = arith.constant 1 : i32
    scf.for %scan3A_114 = %scan3A_50 to %scan3A_52 step %scan3A_53  : i32 {
      %rem3A = arith.constant 2 : i32
      %rem3A_115 = arith.remsi %scan3A_114, %rem3A : i32
      %ge3A = arith.constant 1 : i32
      %ge3A_116 = arith.cmpi sge, %scan3A_114, %ge3A : i32
      %convert_element_type3A = arith.extui %ge3A_116 : i1 to i32
      %cond3A = arith.constant 0 : i32
      %cond3A_117 = arith.cmpi ne, %convert_element_type3A, %cond3A : i32
      scf.if %cond3A_117 {
        %sub3A = arith.constant 1 : i32
        %sub3A_242 = arith.subi %scan3A_114, %sub3A : i32
        %sub3A_243 = arith.constant 1 : i32
        %sub3A_244 = arith.subi %sub3A_243, %rem3A_115 : i32
        %mul3A_245 = arith.constant 4 : i32
        %mul3A_246 = arith.muli %sub3A_242, %mul3A_245 : i32
        %add3A_247 = arith.constant 0 : i32
        %add3A_248 = arith.addi %mul3A_246, %add3A_247 : i32
        %mul3A_249 = arith.constant 4096 : i32
        %mul3A_250 = arith.muli %add3A_248, %mul3A_249 : i32
        %add3A_251 = arith.addi %mul3A_250, %mul3A_2 : i32
        %mul3A_252 = arith.constant 4 : i32
        %mul3A_253 = arith.muli %sub3A_242, %mul3A_252 : i32
        %add3A_254 = arith.constant 1 : i32
        %add3A_255 = arith.addi %mul3A_253, %add3A_254 : i32
        %mul3A_256 = arith.constant 4096 : i32
        %mul3A_257 = arith.muli %add3A_255, %mul3A_256 : i32
        %add3A_258 = arith.addi %mul3A_257, %mul3A_2 : i32
        %mul3A_259 = arith.constant 4 : i32
        %mul3A_260 = arith.muli %sub3A_242, %mul3A_259 : i32
        %add3A_261 = arith.constant 2 : i32
        %add3A_262 = arith.addi %mul3A_260, %add3A_261 : i32
        %mul3A_263 = arith.constant 4096 : i32
        %mul3A_264 = arith.muli %add3A_262, %mul3A_263 : i32
        %add3A_265 = arith.addi %mul3A_264, %mul3A_2 : i32
        %mul3A_266 = arith.constant 4 : i32
        %mul3A_267 = arith.muli %sub3A_242, %mul3A_266 : i32
        %add3A_268 = arith.constant 3 : i32
        %add3A_269 = arith.addi %mul3A_267, %add3A_268 : i32
        %mul3A_270 = arith.constant 4096 : i32
        %mul3A_271 = arith.muli %add3A_269, %mul3A_270 : i32
        %add3A_272 = arith.addi %mul3A_271, %mul3A_2 : i32
        %dma_wait3A_273 = arith.constant 0 : i32
        %dma_wait3A_274 = arith.constant 0 : i32
        %dma_wait3A_275 = tpu.memref_slice %arg6[%sub3A_244, %dma_wait3A_273, %dma_wait3A_274] : memref<2x512x64xf32, #tpu.memory_space<vmem>> -> memref<1x128x64xf32, #tpu.memory_space<vmem>>
        %dma_wait3A_276 = tpu.memref_squeeze %dma_wait3A_275 : memref<1x128x64xf32, #tpu.memory_space<vmem>> -> memref<128x64xf32, #tpu.memory_space<vmem>>
        %dma_wait3A_277 = arith.constant 0 : i32
        %dma_wait3A_278 = tpu.memref_slice %arg4[%add3A_251, %dma_wait3A_277] : memref<819200x128xf32, #tpu.memory_space<hbm>> -> memref<128x64xf32, #tpu.memory_space<hbm>>
        %dma_wait3A_279 = arith.constant 0 : i32
        %dma_wait3A_280 = tpu.memref_slice %arg4[%add3A_251, %dma_wait3A_279] : memref<819200x128xf32, #tpu.memory_space<hbm>> -> memref<128x64xf32, #tpu.memory_space<hbm>>
        %dma_wait3A_281 = arith.constant 0 : i32
        %dma_wait3A_282 = arith.constant 0 : i32
        %dma_wait3A_283 = tpu.memref_slice %arg6[%sub3A_244, %dma_wait3A_281, %dma_wait3A_282] : memref<2x512x64xf32, #tpu.memory_space<vmem>> -> memref<1x128x64xf32, #tpu.memory_space<vmem>>
        %dma_wait3A_284 = tpu.memref_squeeze %dma_wait3A_283 : memref<1x128x64xf32, #tpu.memory_space<vmem>> -> memref<128x64xf32, #tpu.memory_space<vmem>>
        tpu.wait_dma2 semaphore(%arg8 : memref<!tpu.dma_semaphore, #tpu.memory_space<semaphore_mem>>) src(%dma_wait3A_284 : memref<128x64xf32, #tpu.memory_space<vmem>>) dst(%dma_wait3A_280 : memref<128x64xf32, #tpu.memory_space<hbm>>)
        %dma_wait3A_285 = arith.constant 128 : i32
        %dma_wait3A_286 = arith.constant 0 : i32
        %dma_wait3A_287 = tpu.memref_slice %arg6[%sub3A_244, %dma_wait3A_285, %dma_wait3A_286] : memref<2x512x64xf32, #tpu.memory_space<vmem>> -> memref<1x128x64xf32, #tpu.memory_space<vmem>>
        %dma_wait3A_288 = tpu.memref_squeeze %dma_wait3A_287 : memref<1x128x64xf32, #tpu.memory_space<vmem>> -> memref<128x64xf32, #tpu.memory_space<vmem>>
        %dma_wait3A_289 = arith.constant 0 : i32
        %dma_wait3A_290 = tpu.memref_slice %arg4[%add3A_258, %dma_wait3A_289] : memref<819200x128xf32, #tpu.memory_space<hbm>> -> memref<128x64xf32, #tpu.memory_space<hbm>>
        %dma_wait3A_291 = arith.constant 0 : i32
        %dma_wait3A_292 = tpu.memref_slice %arg4[%add3A_258, %dma_wait3A_291] : memref<819200x128xf32, #tpu.memory_space<hbm>> -> memref<128x64xf32, #tpu.memory_space<hbm>>
        %dma_wait3A_293 = arith.constant 128 : i32
        %dma_wait3A_294 = arith.constant 0 : i32
        %dma_wait3A_295 = tpu.memref_slice %arg6[%sub3A_244, %dma_wait3A_293, %dma_wait3A_294] : memref<2x512x64xf32, #tpu.memory_space<vmem>> -> memref<1x128x64xf32, #tpu.memory_space<vmem>>
        %dma_wait3A_296 = tpu.memref_squeeze %dma_wait3A_295 : memref<1x128x64xf32, #tpu.memory_space<vmem>> -> memref<128x64xf32, #tpu.memory_space<vmem>>
        tpu.wait_dma2 semaphore(%arg8 : memref<!tpu.dma_semaphore, #tpu.memory_space<semaphore_mem>>) src(%dma_wait3A_296 : memref<128x64xf32, #tpu.memory_space<vmem>>) dst(%dma_wait3A_292 : memref<128x64xf32, #tpu.memory_space<hbm>>)
        %dma_wait3A_297 = arith.constant 256 : i32
        %dma_wait3A_298 = arith.constant 0 : i32
        %dma_wait3A_299 = tpu.memref_slice %arg6[%sub3A_244, %dma_wait3A_297, %dma_wait3A_298] : memref<2x512x64xf32, #tpu.memory_space<vmem>> -> memref<1x128x64xf32, #tpu.memory_space<vmem>>
        %dma_wait3A_300 = tpu.memref_squeeze %dma_wait3A_299 : memref<1x128x64xf32, #tpu.memory_space<vmem>> -> memref<128x64xf32, #tpu.memory_space<vmem>>
        %dma_wait3A_301 = arith.constant 0 : i32
        %dma_wait3A_302 = tpu.memref_slice %arg4[%add3A_265, %dma_wait3A_301] : memref<819200x128xf32, #tpu.memory_space<hbm>> -> memref<128x64xf32, #tpu.memory_space<hbm>>
        %dma_wait3A_303 = arith.constant 0 : i32
        %dma_wait3A_304 = tpu.memref_slice %arg4[%add3A_265, %dma_wait3A_303] : memref<819200x128xf32, #tpu.memory_space<hbm>> -> memref<128x64xf32, #tpu.memory_space<hbm>>
        %dma_wait3A_305 = arith.constant 256 : i32
        %dma_wait3A_306 = arith.constant 0 : i32
        %dma_wait3A_307 = tpu.memref_slice %arg6[%sub3A_244, %dma_wait3A_305, %dma_wait3A_306] : memref<2x512x64xf32, #tpu.memory_space<vmem>> -> memref<1x128x64xf32, #tpu.memory_space<vmem>>
        %dma_wait3A_308 = tpu.memref_squeeze %dma_wait3A_307 : memref<1x128x64xf32, #tpu.memory_space<vmem>> -> memref<128x64xf32, #tpu.memory_space<vmem>>
        tpu.wait_dma2 semaphore(%arg8 : memref<!tpu.dma_semaphore, #tpu.memory_space<semaphore_mem>>) src(%dma_wait3A_308 : memref<128x64xf32, #tpu.memory_space<vmem>>) dst(%dma_wait3A_304 : memref<128x64xf32, #tpu.memory_space<hbm>>)
        %dma_wait3A_309 = arith.constant 384 : i32
        %dma_wait3A_310 = arith.constant 0 : i32
        %dma_wait3A_311 = tpu.memref_slice %arg6[%sub3A_244, %dma_wait3A_309, %dma_wait3A_310] : memref<2x512x64xf32, #tpu.memory_space<vmem>> -> memref<1x128x64xf32, #tpu.memory_space<vmem>>
        %dma_wait3A_312 = tpu.memref_squeeze %dma_wait3A_311 : memref<1x128x64xf32, #tpu.memory_space<vmem>> -> memref<128x64xf32, #tpu.memory_space<vmem>>
        %dma_wait3A_313 = arith.constant 0 : i32
        %dma_wait3A_314 = tpu.memref_slice %arg4[%add3A_272, %dma_wait3A_313] : memref<819200x128xf32, #tpu.memory_space<hbm>> -> memref<128x64xf32, #tpu.memory_space<hbm>>
        %dma_wait3A_315 = arith.constant 0 : i32
        %dma_wait3A_316 = tpu.memref_slice %arg4[%add3A_272, %dma_wait3A_315] : memref<819200x128xf32, #tpu.memory_space<hbm>> -> memref<128x64xf32, #tpu.memory_space<hbm>>
        %dma_wait3A_317 = arith.constant 384 : i32
        %dma_wait3A_318 = arith.constant 0 : i32
        %dma_wait3A_319 = tpu.memref_slice %arg6[%sub3A_244, %dma_wait3A_317, %dma_wait3A_318] : memref<2x512x64xf32, #tpu.memory_space<vmem>> -> memref<1x128x64xf32, #tpu.memory_space<vmem>>
        %dma_wait3A_320 = tpu.memref_squeeze %dma_wait3A_319 : memref<1x128x64xf32, #tpu.memory_space<vmem>> -> memref<128x64xf32, #tpu.memory_space<vmem>>
        tpu.wait_dma2 semaphore(%arg8 : memref<!tpu.dma_semaphore, #tpu.memory_space<semaphore_mem>>) src(%dma_wait3A_320 : memref<128x64xf32, #tpu.memory_space<vmem>>) dst(%dma_wait3A_316 : memref<128x64xf32, #tpu.memory_space<hbm>>)
      } else {
      }
      %lt3A = arith.constant 49 : i32
      %lt3A_118 = arith.cmpi slt, %scan3A_114, %lt3A : i32
      %convert_element_type3A_119 = arith.extui %lt3A_118 : i1 to i32
      %cond3A_120 = arith.constant 0 : i32
      %cond3A_121 = arith.cmpi ne, %convert_element_type3A_119, %cond3A_120 : i32
      scf.if %cond3A_121 {
        %add3A_242 = arith.constant 1 : i32
        %add3A_243 = arith.addi %scan3A_114, %add3A_242 : i32
        %sub3A = arith.constant 1 : i32
        %sub3A_244 = arith.subi %sub3A, %rem3A_115 : i32
        %mul3A_245 = arith.constant 4 : i32
        %mul3A_246 = arith.muli %add3A_243, %mul3A_245 : i32
        %add3A_247 = arith.constant 0 : i32
        %add3A_248 = arith.addi %mul3A_246, %add3A_247 : i32
        %dma_start3A_249 = arith.constant 0 : i32
        %dma_start3A_250 = arith.constant 0 : i32
        %dma_start3A_251 = tpu.memref_slice %arg6[%sub3A_244, %dma_start3A_249, %dma_start3A_250] : memref<2x512x64xf32, #tpu.memory_space<vmem>> -> memref<1x128x64xf32, #tpu.memory_space<vmem>>
        %dma_start3A_252 = tpu.memref_squeeze %dma_start3A_251 : memref<1x128x64xf32, #tpu.memory_space<vmem>> -> memref<128x64xf32, #tpu.memory_space<vmem>>
        %dma_start3A_253 = arith.constant 0 : i32
        %dma_start3A_254 = tpu.memref_slice %arg5[%add3A_248, %dma_start3A_253] : memref<200x128xi32, #tpu.memory_space<vmem>> -> memref<1x128xi32, #tpu.memory_space<vmem>>
        %dma_start3A_255 = tpu.memref_squeeze %dma_start3A_254 : memref<1x128xi32, #tpu.memory_space<vmem>> -> memref<128xi32, #tpu.memory_space<vmem>>
        %dma_start3A_256 = arith.constant 0 : i32
        %dma_start3A_257 = arith.constant 0 : i32
        %dma_start3A_258 = tpu.memref_slice %arg2[%dma_start3A_256, %dma_start3A_257] : memref<1000000x64xf32, #tpu.memory_space<hbm>> -> memref<1000000x64xf32, #tpu.memory_space<hbm>>
        tpu.enqueue_indirect_dma source(%dma_start3A_258 : memref<1000000x64xf32, #tpu.memory_space<hbm>>) target(%dma_start3A_252 : memref<128x64xf32, #tpu.memory_space<vmem>>) offsets(%dma_start3A_255 : memref<128xi32, #tpu.memory_space<vmem>>) semaphore(%arg7 : memref<!tpu.dma_semaphore, #tpu.memory_space<semaphore_mem>>)
        %mul3A_259 = arith.constant 4 : i32
        %mul3A_260 = arith.muli %add3A_243, %mul3A_259 : i32
        %add3A_261 = arith.constant 1 : i32
        %add3A_262 = arith.addi %mul3A_260, %add3A_261 : i32
        %dma_start3A_263 = arith.constant 128 : i32
        %dma_start3A_264 = arith.constant 0 : i32
        %dma_start3A_265 = tpu.memref_slice %arg6[%sub3A_244, %dma_start3A_263, %dma_start3A_264] : memref<2x512x64xf32, #tpu.memory_space<vmem>> -> memref<1x128x64xf32, #tpu.memory_space<vmem>>
        %dma_start3A_266 = tpu.memref_squeeze %dma_start3A_265 : memref<1x128x64xf32, #tpu.memory_space<vmem>> -> memref<128x64xf32, #tpu.memory_space<vmem>>
        %dma_start3A_267 = arith.constant 0 : i32
        %dma_start3A_268 = tpu.memref_slice %arg5[%add3A_262, %dma_start3A_267] : memref<200x128xi32, #tpu.memory_space<vmem>> -> memref<1x128xi32, #tpu.memory_space<vmem>>
        %dma_start3A_269 = tpu.memref_squeeze %dma_start3A_268 : memref<1x128xi32, #tpu.memory_space<vmem>> -> memref<128xi32, #tpu.memory_space<vmem>>
        %dma_start3A_270 = arith.constant 0 : i32
        %dma_start3A_271 = arith.constant 0 : i32
        %dma_start3A_272 = tpu.memref_slice %arg2[%dma_start3A_270, %dma_start3A_271] : memref<1000000x64xf32, #tpu.memory_space<hbm>> -> memref<1000000x64xf32, #tpu.memory_space<hbm>>
        tpu.enqueue_indirect_dma source(%dma_start3A_272 : memref<1000000x64xf32, #tpu.memory_space<hbm>>) target(%dma_start3A_266 : memref<128x64xf32, #tpu.memory_space<vmem>>) offsets(%dma_start3A_269 : memref<128xi32, #tpu.memory_space<vmem>>) semaphore(%arg7 : memref<!tpu.dma_semaphore, #tpu.memory_space<semaphore_mem>>)
        %mul3A_273 = arith.constant 4 : i32
        %mul3A_274 = arith.muli %add3A_243, %mul3A_273 : i32
        %add3A_275 = arith.constant 2 : i32
        %add3A_276 = arith.addi %mul3A_274, %add3A_275 : i32
        %dma_start3A_277 = arith.constant 256 : i32
        %dma_start3A_278 = arith.constant 0 : i32
        %dma_start3A_279 = tpu.memref_slice %arg6[%sub3A_244, %dma_start3A_277, %dma_start3A_278] : memref<2x512x64xf32, #tpu.memory_space<vmem>> -> memref<1x128x64xf32, #tpu.memory_space<vmem>>
        %dma_start3A_280 = tpu.memref_squeeze %dma_start3A_279 : memref<1x128x64xf32, #tpu.memory_space<vmem>> -> memref<128x64xf32, #tpu.memory_space<vmem>>
        %dma_start3A_281 = arith.constant 0 : i32
        %dma_start3A_282 = tpu.memref_slice %arg5[%add3A_276, %dma_start3A_281] : memref<200x128xi32, #tpu.memory_space<vmem>> -> memref<1x128xi32, #tpu.memory_space<vmem>>
        %dma_start3A_283 = tpu.memref_squeeze %dma_start3A_282 : memref<1x128xi32, #tpu.memory_space<vmem>> -> memref<128xi32, #tpu.memory_space<vmem>>
        %dma_start3A_284 = arith.constant 0 : i32
        %dma_start3A_285 = arith.constant 0 : i32
        %dma_start3A_286 = tpu.memref_slice %arg2[%dma_start3A_284, %dma_start3A_285] : memref<1000000x64xf32, #tpu.memory_space<hbm>> -> memref<1000000x64xf32, #tpu.memory_space<hbm>>
        tpu.enqueue_indirect_dma source(%dma_start3A_286 : memref<1000000x64xf32, #tpu.memory_space<hbm>>) target(%dma_start3A_280 : memref<128x64xf32, #tpu.memory_space<vmem>>) offsets(%dma_start3A_283 : memref<128xi32, #tpu.memory_space<vmem>>) semaphore(%arg7 : memref<!tpu.dma_semaphore, #tpu.memory_space<semaphore_mem>>)
        %mul3A_287 = arith.constant 4 : i32
        %mul3A_288 = arith.muli %add3A_243, %mul3A_287 : i32
        %add3A_289 = arith.constant 3 : i32
        %add3A_290 = arith.addi %mul3A_288, %add3A_289 : i32
        %dma_start3A_291 = arith.constant 384 : i32
        %dma_start3A_292 = arith.constant 0 : i32
        %dma_start3A_293 = tpu.memref_slice %arg6[%sub3A_244, %dma_start3A_291, %dma_start3A_292] : memref<2x512x64xf32, #tpu.memory_space<vmem>> -> memref<1x128x64xf32, #tpu.memory_space<vmem>>
        %dma_start3A_294 = tpu.memref_squeeze %dma_start3A_293 : memref<1x128x64xf32, #tpu.memory_space<vmem>> -> memref<128x64xf32, #tpu.memory_space<vmem>>
        %dma_start3A_295 = arith.constant 0 : i32
        %dma_start3A_296 = tpu.memref_slice %arg5[%add3A_290, %dma_start3A_295] : memref<200x128xi32, #tpu.memory_space<vmem>> -> memref<1x128xi32, #tpu.memory_space<vmem>>
        %dma_start3A_297 = tpu.memref_squeeze %dma_start3A_296 : memref<1x128xi32, #tpu.memory_space<vmem>> -> memref<128xi32, #tpu.memory_space<vmem>>
        %dma_start3A_298 = arith.constant 0 : i32
        %dma_start3A_299 = arith.constant 0 : i32
        %dma_start3A_300 = tpu.memref_slice %arg2[%dma_start3A_298, %dma_start3A_299] : memref<1000000x64xf32, #tpu.memory_space<hbm>> -> memref<1000000x64xf32, #tpu.memory_space<hbm>>
        tpu.enqueue_indirect_dma source(%dma_start3A_300 : memref<1000000x64xf32, #tpu.memory_space<hbm>>) target(%dma_start3A_294 : memref<128x64xf32, #tpu.memory_space<vmem>>) offsets(%dma_start3A_297 : memref<128xi32, #tpu.memory_space<vmem>>) semaphore(%arg7 : memref<!tpu.dma_semaphore, #tpu.memory_space<semaphore_mem>>)
      } else {
      }
      %dma_wait3A_122 = arith.constant 0 : i32
      %dma_wait3A_123 = arith.constant 0 : i32
      %dma_wait3A_124 = arith.constant 0 : i32
      %dma_wait3A_125 = tpu.memref_slice %arg6[%rem3A_115, %dma_wait3A_123, %dma_wait3A_124] : memref<2x512x64xf32, #tpu.memory_space<vmem>> -> memref<1x128x64xf32, #tpu.memory_space<vmem>>
      %dma_wait3A_126 = tpu.memref_squeeze %dma_wait3A_125 : memref<1x128x64xf32, #tpu.memory_space<vmem>> -> memref<128x64xf32, #tpu.memory_space<vmem>>
      %dma_wait3A_127 = arith.constant 0 : i32
      %dma_wait3A_128 = tpu.memref_slice %arg5[%dma_wait3A_122, %dma_wait3A_127] : memref<200x128xi32, #tpu.memory_space<vmem>> -> memref<1x128xi32, #tpu.memory_space<vmem>>
      %dma_wait3A_129 = tpu.memref_squeeze %dma_wait3A_128 : memref<1x128xi32, #tpu.memory_space<vmem>> -> memref<128xi32, #tpu.memory_space<vmem>>
      %dma_wait3A_130 = arith.constant 0 : i32
      %dma_wait3A_131 = arith.constant 0 : i32
      %dma_wait3A_132 = tpu.memref_slice %arg2[%dma_wait3A_130, %dma_wait3A_131] : memref<1000000x64xf32, #tpu.memory_space<hbm>> -> memref<1000000x64xf32, #tpu.memory_space<hbm>>
      tpu.wait_indirect_dma semaphore(%arg7 : memref<!tpu.dma_semaphore, #tpu.memory_space<semaphore_mem>>) src(%dma_wait3A_132 : memref<1000000x64xf32, #tpu.memory_space<hbm>>) dst(%dma_wait3A_126 : memref<128x64xf32, #tpu.memory_space<vmem>>)
      %dma_wait3A_133 = arith.constant 1 : i32
      %dma_wait3A_134 = arith.constant 128 : i32
      %dma_wait3A_135 = arith.constant 0 : i32
      %dma_wait3A_136 = tpu.memref_slice %arg6[%rem3A_115, %dma_wait3A_134, %dma_wait3A_135] : memref<2x512x64xf32, #tpu.memory_space<vmem>> -> memref<1x128x64xf32, #tpu.memory_space<vmem>>
      %dma_wait3A_137 = tpu.memref_squeeze %dma_wait3A_136 : memref<1x128x64xf32, #tpu.memory_space<vmem>> -> memref<128x64xf32, #tpu.memory_space<vmem>>
      %dma_wait3A_138 = arith.constant 0 : i32
      %dma_wait3A_139 = tpu.memref_slice %arg5[%dma_wait3A_133, %dma_wait3A_138] : memref<200x128xi32, #tpu.memory_space<vmem>> -> memref<1x128xi32, #tpu.memory_space<vmem>>
      %dma_wait3A_140 = tpu.memref_squeeze %dma_wait3A_139 : memref<1x128xi32, #tpu.memory_space<vmem>> -> memref<128xi32, #tpu.memory_space<vmem>>
      %dma_wait3A_141 = arith.constant 0 : i32
      %dma_wait3A_142 = arith.constant 0 : i32
      %dma_wait3A_143 = tpu.memref_slice %arg2[%dma_wait3A_141, %dma_wait3A_142] : memref<1000000x64xf32, #tpu.memory_space<hbm>> -> memref<1000000x64xf32, #tpu.memory_space<hbm>>
      tpu.wait_indirect_dma semaphore(%arg7 : memref<!tpu.dma_semaphore, #tpu.memory_space<semaphore_mem>>) src(%dma_wait3A_143 : memref<1000000x64xf32, #tpu.memory_space<hbm>>) dst(%dma_wait3A_137 : memref<128x64xf32, #tpu.memory_space<vmem>>)
      %dma_wait3A_144 = arith.constant 2 : i32
      %dma_wait3A_145 = arith.constant 256 : i32
      %dma_wait3A_146 = arith.constant 0 : i32
      %dma_wait3A_147 = tpu.memref_slice %arg6[%rem3A_115, %dma_wait3A_145, %dma_wait3A_146] : memref<2x512x64xf32, #tpu.memory_space<vmem>> -> memref<1x128x64xf32, #tpu.memory_space<vmem>>
      %dma_wait3A_148 = tpu.memref_squeeze %dma_wait3A_147 : memref<1x128x64xf32, #tpu.memory_space<vmem>> -> memref<128x64xf32, #tpu.memory_space<vmem>>
      %dma_wait3A_149 = arith.constant 0 : i32
      %dma_wait3A_150 = tpu.memref_slice %arg5[%dma_wait3A_144, %dma_wait3A_149] : memref<200x128xi32, #tpu.memory_space<vmem>> -> memref<1x128xi32, #tpu.memory_space<vmem>>
      %dma_wait3A_151 = tpu.memref_squeeze %dma_wait3A_150 : memref<1x128xi32, #tpu.memory_space<vmem>> -> memref<128xi32, #tpu.memory_space<vmem>>
      %dma_wait3A_152 = arith.constant 0 : i32
      %dma_wait3A_153 = arith.constant 0 : i32
      %dma_wait3A_154 = tpu.memref_slice %arg2[%dma_wait3A_152, %dma_wait3A_153] : memref<1000000x64xf32, #tpu.memory_space<hbm>> -> memref<1000000x64xf32, #tpu.memory_space<hbm>>
      tpu.wait_indirect_dma semaphore(%arg7 : memref<!tpu.dma_semaphore, #tpu.memory_space<semaphore_mem>>) src(%dma_wait3A_154 : memref<1000000x64xf32, #tpu.memory_space<hbm>>) dst(%dma_wait3A_148 : memref<128x64xf32, #tpu.memory_space<vmem>>)
      %dma_wait3A_155 = arith.constant 3 : i32
      %dma_wait3A_156 = arith.constant 384 : i32
      %dma_wait3A_157 = arith.constant 0 : i32
      %dma_wait3A_158 = tpu.memref_slice %arg6[%rem3A_115, %dma_wait3A_156, %dma_wait3A_157] : memref<2x512x64xf32, #tpu.memory_space<vmem>> -> memref<1x128x64xf32, #tpu.memory_space<vmem>>
      %dma_wait3A_159 = tpu.memref_squeeze %dma_wait3A_158 : memref<1x128x64xf32, #tpu.memory_space<vmem>> -> memref<128x64xf32, #tpu.memory_space<vmem>>
      %dma_wait3A_160 = arith.constant 0 : i32
      %dma_wait3A_161 = tpu.memref_slice %arg5[%dma_wait3A_155, %dma_wait3A_160] : memref<200x128xi32, #tpu.memory_space<vmem>> -> memref<1x128xi32, #tpu.memory_space<vmem>>
      %dma_wait3A_162 = tpu.memref_squeeze %dma_wait3A_161 : memref<1x128xi32, #tpu.memory_space<vmem>> -> memref<128xi32, #tpu.memory_space<vmem>>
      %dma_wait3A_163 = arith.constant 0 : i32
      %dma_wait3A_164 = arith.constant 0 : i32
      %dma_wait3A_165 = tpu.memref_slice %arg2[%dma_wait3A_163, %dma_wait3A_164] : memref<1000000x64xf32, #tpu.memory_space<hbm>> -> memref<1000000x64xf32, #tpu.memory_space<hbm>>
      tpu.wait_indirect_dma semaphore(%arg7 : memref<!tpu.dma_semaphore, #tpu.memory_space<semaphore_mem>>) src(%dma_wait3A_165 : memref<1000000x64xf32, #tpu.memory_space<hbm>>) dst(%dma_wait3A_159 : memref<128x64xf32, #tpu.memory_space<vmem>>)
      %mul3A_166 = arith.constant 4 : i32
      %mul3A_167 = arith.muli %scan3A_114, %mul3A_166 : i32
      %add3A_168 = arith.constant 0 : i32
      %add3A_169 = arith.addi %mul3A_167, %add3A_168 : i32
      %mul3A_170 = arith.constant 4096 : i32
      %mul3A_171 = arith.muli %add3A_169, %mul3A_170 : i32
      %add3A_172 = arith.addi %mul3A_171, %mul3A_2 : i32
      %mul3A_173 = arith.constant 4 : i32
      %mul3A_174 = arith.muli %scan3A_114, %mul3A_173 : i32
      %add3A_175 = arith.constant 1 : i32
      %add3A_176 = arith.addi %mul3A_174, %add3A_175 : i32
      %mul3A_177 = arith.constant 4096 : i32
      %mul3A_178 = arith.muli %add3A_176, %mul3A_177 : i32
      %add3A_179 = arith.addi %mul3A_178, %mul3A_2 : i32
      %mul3A_180 = arith.constant 4 : i32
      %mul3A_181 = arith.muli %scan3A_114, %mul3A_180 : i32
      %add3A_182 = arith.constant 2 : i32
      %add3A_183 = arith.addi %mul3A_181, %add3A_182 : i32
      %mul3A_184 = arith.constant 4096 : i32
      %mul3A_185 = arith.muli %add3A_183, %mul3A_184 : i32
      %add3A_186 = arith.addi %mul3A_185, %mul3A_2 : i32
      %mul3A_187 = arith.constant 4 : i32
      %mul3A_188 = arith.muli %scan3A_114, %mul3A_187 : i32
      %add3A_189 = arith.constant 3 : i32
      %add3A_190 = arith.addi %mul3A_188, %add3A_189 : i32
      %mul3A_191 = arith.constant 4096 : i32
      %mul3A_192 = arith.muli %add3A_190, %mul3A_191 : i32
      %add3A_193 = arith.addi %mul3A_192, %mul3A_2 : i32
      %dma_start3A_194 = arith.constant 0 : i32
      %dma_start3A_195 = arith.constant 0 : i32
      %dma_start3A_196 = tpu.memref_slice %arg6[%rem3A_115, %dma_start3A_194, %dma_start3A_195] : memref<2x512x64xf32, #tpu.memory_space<vmem>> -> memref<1x128x64xf32, #tpu.memory_space<vmem>>
      %dma_start3A_197 = tpu.memref_squeeze %dma_start3A_196 : memref<1x128x64xf32, #tpu.memory_space<vmem>> -> memref<128x64xf32, #tpu.memory_space<vmem>>
      %dma_start3A_198 = arith.constant 0 : i32
      %dma_start3A_199 = tpu.memref_slice %arg4[%add3A_172, %dma_start3A_198] : memref<819200x128xf32, #tpu.memory_space<hbm>> -> memref<128x64xf32, #tpu.memory_space<hbm>>
      %dma_start3A_200 = arith.constant 0 : i32
      %dma_start3A_201 = tpu.memref_slice %arg4[%add3A_172, %dma_start3A_200] : memref<819200x128xf32, #tpu.memory_space<hbm>> -> memref<128x64xf32, #tpu.memory_space<hbm>>
      %dma_start3A_202 = arith.constant 0 : i32
      %dma_start3A_203 = arith.constant 0 : i32
      %dma_start3A_204 = tpu.memref_slice %arg6[%rem3A_115, %dma_start3A_202, %dma_start3A_203] : memref<2x512x64xf32, #tpu.memory_space<vmem>> -> memref<1x128x64xf32, #tpu.memory_space<vmem>>
      %dma_start3A_205 = tpu.memref_squeeze %dma_start3A_204 : memref<1x128x64xf32, #tpu.memory_space<vmem>> -> memref<128x64xf32, #tpu.memory_space<vmem>>
      tpu.enqueue_dma source(%dma_start3A_205 : memref<128x64xf32, #tpu.memory_space<vmem>>) target(%dma_start3A_201 : memref<128x64xf32, #tpu.memory_space<hbm>>) target_semaphore(%arg8 : memref<!tpu.dma_semaphore, #tpu.memory_space<semaphore_mem>>)
      %dma_start3A_206 = arith.constant 128 : i32
      %dma_start3A_207 = arith.constant 0 : i32
      %dma_start3A_208 = tpu.memref_slice %arg6[%rem3A_115, %dma_start3A_206, %dma_start3A_207] : memref<2x512x64xf32, #tpu.memory_space<vmem>> -> memref<1x128x64xf32, #tpu.memory_space<vmem>>
      %dma_start3A_209 = tpu.memref_squeeze %dma_start3A_208 : memref<1x128x64xf32, #tpu.memory_space<vmem>> -> memref<128x64xf32, #tpu.memory_space<vmem>>
      %dma_start3A_210 = arith.constant 0 : i32
      %dma_start3A_211 = tpu.memref_slice %arg4[%add3A_179, %dma_start3A_210] : memref<819200x128xf32, #tpu.memory_space<hbm>> -> memref<128x64xf32, #tpu.memory_space<hbm>>
      %dma_start3A_212 = arith.constant 0 : i32
      %dma_start3A_213 = tpu.memref_slice %arg4[%add3A_179, %dma_start3A_212] : memref<819200x128xf32, #tpu.memory_space<hbm>> -> memref<128x64xf32, #tpu.memory_space<hbm>>
      %dma_start3A_214 = arith.constant 128 : i32
      %dma_start3A_215 = arith.constant 0 : i32
      %dma_start3A_216 = tpu.memref_slice %arg6[%rem3A_115, %dma_start3A_214, %dma_start3A_215] : memref<2x512x64xf32, #tpu.memory_space<vmem>> -> memref<1x128x64xf32, #tpu.memory_space<vmem>>
      %dma_start3A_217 = tpu.memref_squeeze %dma_start3A_216 : memref<1x128x64xf32, #tpu.memory_space<vmem>> -> memref<128x64xf32, #tpu.memory_space<vmem>>
      tpu.enqueue_dma source(%dma_start3A_217 : memref<128x64xf32, #tpu.memory_space<vmem>>) target(%dma_start3A_213 : memref<128x64xf32, #tpu.memory_space<hbm>>) target_semaphore(%arg8 : memref<!tpu.dma_semaphore, #tpu.memory_space<semaphore_mem>>)
      %dma_start3A_218 = arith.constant 256 : i32
      %dma_start3A_219 = arith.constant 0 : i32
      %dma_start3A_220 = tpu.memref_slice %arg6[%rem3A_115, %dma_start3A_218, %dma_start3A_219] : memref<2x512x64xf32, #tpu.memory_space<vmem>> -> memref<1x128x64xf32, #tpu.memory_space<vmem>>
      %dma_start3A_221 = tpu.memref_squeeze %dma_start3A_220 : memref<1x128x64xf32, #tpu.memory_space<vmem>> -> memref<128x64xf32, #tpu.memory_space<vmem>>
      %dma_start3A_222 = arith.constant 0 : i32
      %dma_start3A_223 = tpu.memref_slice %arg4[%add3A_186, %dma_start3A_222] : memref<819200x128xf32, #tpu.memory_space<hbm>> -> memref<128x64xf32, #tpu.memory_space<hbm>>
      %dma_start3A_224 = arith.constant 0 : i32
      %dma_start3A_225 = tpu.memref_slice %arg4[%add3A_186, %dma_start3A_224] : memref<819200x128xf32, #tpu.memory_space<hbm>> -> memref<128x64xf32, #tpu.memory_space<hbm>>
      %dma_start3A_226 = arith.constant 256 : i32
      %dma_start3A_227 = arith.constant 0 : i32
      %dma_start3A_228 = tpu.memref_slice %arg6[%rem3A_115, %dma_start3A_226, %dma_start3A_227] : memref<2x512x64xf32, #tpu.memory_space<vmem>> -> memref<1x128x64xf32, #tpu.memory_space<vmem>>
      %dma_start3A_229 = tpu.memref_squeeze %dma_start3A_228 : memref<1x128x64xf32, #tpu.memory_space<vmem>> -> memref<128x64xf32, #tpu.memory_space<vmem>>
      tpu.enqueue_dma source(%dma_start3A_229 : memref<128x64xf32, #tpu.memory_space<vmem>>) target(%dma_start3A_225 : memref<128x64xf32, #tpu.memory_space<hbm>>) target_semaphore(%arg8 : memref<!tpu.dma_semaphore, #tpu.memory_space<semaphore_mem>>)
      %dma_start3A_230 = arith.constant 384 : i32
      %dma_start3A_231 = arith.constant 0 : i32
      %dma_start3A_232 = tpu.memref_slice %arg6[%rem3A_115, %dma_start3A_230, %dma_start3A_231] : memref<2x512x64xf32, #tpu.memory_space<vmem>> -> memref<1x128x64xf32, #tpu.memory_space<vmem>>
      %dma_start3A_233 = tpu.memref_squeeze %dma_start3A_232 : memref<1x128x64xf32, #tpu.memory_space<vmem>> -> memref<128x64xf32, #tpu.memory_space<vmem>>
      %dma_start3A_234 = arith.constant 0 : i32
      %dma_start3A_235 = tpu.memref_slice %arg4[%add3A_193, %dma_start3A_234] : memref<819200x128xf32, #tpu.memory_space<hbm>> -> memref<128x64xf32, #tpu.memory_space<hbm>>
      %dma_start3A_236 = arith.constant 0 : i32
      %dma_start3A_237 = tpu.memref_slice %arg4[%add3A_193, %dma_start3A_236] : memref<819200x128xf32, #tpu.memory_space<hbm>> -> memref<128x64xf32, #tpu.memory_space<hbm>>
      %dma_start3A_238 = arith.constant 384 : i32
      %dma_start3A_239 = arith.constant 0 : i32
      %dma_start3A_240 = tpu.memref_slice %arg6[%rem3A_115, %dma_start3A_238, %dma_start3A_239] : memref<2x512x64xf32, #tpu.memory_space<vmem>> -> memref<1x128x64xf32, #tpu.memory_space<vmem>>
      %dma_start3A_241 = tpu.memref_squeeze %dma_start3A_240 : memref<1x128x64xf32, #tpu.memory_space<vmem>> -> memref<128x64xf32, #tpu.memory_space<vmem>>
      tpu.enqueue_dma source(%dma_start3A_241 : memref<128x64xf32, #tpu.memory_space<vmem>>) target(%dma_start3A_237 : memref<128x64xf32, #tpu.memory_space<hbm>>) target_semaphore(%arg8 : memref<!tpu.dma_semaphore, #tpu.memory_space<semaphore_mem>>)
    }
    %scan3A_54 = arith.constant 50 : i32
    %add3A_55 = arith.constant 802816 : i32
    %add3A_56 = arith.addi %add3A_55, %mul3A_2 : i32
    %add3A_57 = arith.constant 806912 : i32
    %add3A_58 = arith.addi %add3A_57, %mul3A_2 : i32
    %add3A_59 = arith.constant 811008 : i32
    %add3A_60 = arith.addi %add3A_59, %mul3A_2 : i32
    %add3A_61 = arith.constant 815104 : i32
    %add3A_62 = arith.addi %add3A_61, %mul3A_2 : i32
    %dma_wait3A = arith.constant 1 : i32
    %dma_wait3A_63 = arith.constant 0 : i32
    %dma_wait3A_64 = arith.constant 0 : i32
    %dma_wait3A_65 = tpu.memref_slice %arg6[%dma_wait3A, %dma_wait3A_63, %dma_wait3A_64] : memref<2x512x64xf32, #tpu.memory_space<vmem>> -> memref<1x128x64xf32, #tpu.memory_space<vmem>>
    %dma_wait3A_66 = tpu.memref_squeeze %dma_wait3A_65 : memref<1x128x64xf32, #tpu.memory_space<vmem>> -> memref<128x64xf32, #tpu.memory_space<vmem>>
    %dma_wait3A_67 = arith.constant 0 : i32
    %dma_wait3A_68 = tpu.memref_slice %arg4[%add3A_56, %dma_wait3A_67] : memref<819200x128xf32, #tpu.memory_space<hbm>> -> memref<128x64xf32, #tpu.memory_space<hbm>>
    %dma_wait3A_69 = arith.constant 0 : i32
    %dma_wait3A_70 = tpu.memref_slice %arg4[%add3A_56, %dma_wait3A_69] : memref<819200x128xf32, #tpu.memory_space<hbm>> -> memref<128x64xf32, #tpu.memory_space<hbm>>
    %dma_wait3A_71 = arith.constant 0 : i32
    %dma_wait3A_72 = arith.constant 0 : i32
    %dma_wait3A_73 = tpu.memref_slice %arg6[%dma_wait3A, %dma_wait3A_71, %dma_wait3A_72] : memref<2x512x64xf32, #tpu.memory_space<vmem>> -> memref<1x128x64xf32, #tpu.memory_space<vmem>>
    %dma_wait3A_74 = tpu.memref_squeeze %dma_wait3A_73 : memref<1x128x64xf32, #tpu.memory_space<vmem>> -> memref<128x64xf32, #tpu.memory_space<vmem>>
    tpu.wait_dma2 semaphore(%arg8 : memref<!tpu.dma_semaphore, #tpu.memory_space<semaphore_mem>>) src(%dma_wait3A_74 : memref<128x64xf32, #tpu.memory_space<vmem>>) dst(%dma_wait3A_70 : memref<128x64xf32, #tpu.memory_space<hbm>>)
    %dma_wait3A_75 = arith.constant 1 : i32
    %dma_wait3A_76 = arith.constant 128 : i32
    %dma_wait3A_77 = arith.constant 0 : i32
    %dma_wait3A_78 = tpu.memref_slice %arg6[%dma_wait3A_75, %dma_wait3A_76, %dma_wait3A_77] : memref<2x512x64xf32, #tpu.memory_space<vmem>> -> memref<1x128x64xf32, #tpu.memory_space<vmem>>
    %dma_wait3A_79 = tpu.memref_squeeze %dma_wait3A_78 : memref<1x128x64xf32, #tpu.memory_space<vmem>> -> memref<128x64xf32, #tpu.memory_space<vmem>>
    %dma_wait3A_80 = arith.constant 0 : i32
    %dma_wait3A_81 = tpu.memref_slice %arg4[%add3A_58, %dma_wait3A_80] : memref<819200x128xf32, #tpu.memory_space<hbm>> -> memref<128x64xf32, #tpu.memory_space<hbm>>
    %dma_wait3A_82 = arith.constant 0 : i32
    %dma_wait3A_83 = tpu.memref_slice %arg4[%add3A_58, %dma_wait3A_82] : memref<819200x128xf32, #tpu.memory_space<hbm>> -> memref<128x64xf32, #tpu.memory_space<hbm>>
    %dma_wait3A_84 = arith.constant 128 : i32
    %dma_wait3A_85 = arith.constant 0 : i32
    %dma_wait3A_86 = tpu.memref_slice %arg6[%dma_wait3A_75, %dma_wait3A_84, %dma_wait3A_85] : memref<2x512x64xf32, #tpu.memory_space<vmem>> -> memref<1x128x64xf32, #tpu.memory_space<vmem>>
    %dma_wait3A_87 = tpu.memref_squeeze %dma_wait3A_86 : memref<1x128x64xf32, #tpu.memory_space<vmem>> -> memref<128x64xf32, #tpu.memory_space<vmem>>
    tpu.wait_dma2 semaphore(%arg8 : memref<!tpu.dma_semaphore, #tpu.memory_space<semaphore_mem>>) src(%dma_wait3A_87 : memref<128x64xf32, #tpu.memory_space<vmem>>) dst(%dma_wait3A_83 : memref<128x64xf32, #tpu.memory_space<hbm>>)
    %dma_wait3A_88 = arith.constant 1 : i32
    %dma_wait3A_89 = arith.constant 256 : i32
    %dma_wait3A_90 = arith.constant 0 : i32
    %dma_wait3A_91 = tpu.memref_slice %arg6[%dma_wait3A_88, %dma_wait3A_89, %dma_wait3A_90] : memref<2x512x64xf32, #tpu.memory_space<vmem>> -> memref<1x128x64xf32, #tpu.memory_space<vmem>>
    %dma_wait3A_92 = tpu.memref_squeeze %dma_wait3A_91 : memref<1x128x64xf32, #tpu.memory_space<vmem>> -> memref<128x64xf32, #tpu.memory_space<vmem>>
    %dma_wait3A_93 = arith.constant 0 : i32
    %dma_wait3A_94 = tpu.memref_slice %arg4[%add3A_60, %dma_wait3A_93] : memref<819200x128xf32, #tpu.memory_space<hbm>> -> memref<128x64xf32, #tpu.memory_space<hbm>>
    %dma_wait3A_95 = arith.constant 0 : i32
    %dma_wait3A_96 = tpu.memref_slice %arg4[%add3A_60, %dma_wait3A_95] : memref<819200x128xf32, #tpu.memory_space<hbm>> -> memref<128x64xf32, #tpu.memory_space<hbm>>
    %dma_wait3A_97 = arith.constant 256 : i32
    %dma_wait3A_98 = arith.constant 0 : i32
    %dma_wait3A_99 = tpu.memref_slice %arg6[%dma_wait3A_88, %dma_wait3A_97, %dma_wait3A_98] : memref<2x512x64xf32, #tpu.memory_space<vmem>> -> memref<1x128x64xf32, #tpu.memory_space<vmem>>
    %dma_wait3A_100 = tpu.memref_squeeze %dma_wait3A_99 : memref<1x128x64xf32, #tpu.memory_space<vmem>> -> memref<128x64xf32, #tpu.memory_space<vmem>>
    tpu.wait_dma2 semaphore(%arg8 : memref<!tpu.dma_semaphore, #tpu.memory_space<semaphore_mem>>) src(%dma_wait3A_100 : memref<128x64xf32, #tpu.memory_space<vmem>>) dst(%dma_wait3A_96 : memref<128x64xf32, #tpu.memory_space<hbm>>)
    %dma_wait3A_101 = arith.constant 1 : i32
    %dma_wait3A_102 = arith.constant 384 : i32
    %dma_wait3A_103 = arith.constant 0 : i32
    %dma_wait3A_104 = tpu.memref_slice %arg6[%dma_wait3A_101, %dma_wait3A_102, %dma_wait3A_103] : memref<2x512x64xf32, #tpu.memory_space<vmem>> -> memref<1x128x64xf32, #tpu.memory_space<vmem>>
    %dma_wait3A_105 = tpu.memref_squeeze %dma_wait3A_104 : memref<1x128x64xf32, #tpu.memory_space<vmem>> -> memref<128x64xf32, #tpu.memory_space<vmem>>
    %dma_wait3A_106 = arith.constant 0 : i32
    %dma_wait3A_107 = tpu.memref_slice %arg4[%add3A_62, %dma_wait3A_106] : memref<819200x128xf32, #tpu.memory_space<hbm>> -> memref<128x64xf32, #tpu.memory_space<hbm>>
    %dma_wait3A_108 = arith.constant 0 : i32
    %dma_wait3A_109 = tpu.memref_slice %arg4[%add3A_62, %dma_wait3A_108] : memref<819200x128xf32, #tpu.memory_space<hbm>> -> memref<128x64xf32, #tpu.memory_space<hbm>>
    %dma_wait3A_110 = arith.constant 384 : i32
    %dma_wait3A_111 = arith.constant 0 : i32
    %dma_wait3A_112 = tpu.memref_slice %arg6[%dma_wait3A_101, %dma_wait3A_110, %dma_wait3A_111] : memref<2x512x64xf32, #tpu.memory_space<vmem>> -> memref<1x128x64xf32, #tpu.memory_space<vmem>>
    %dma_wait3A_113 = tpu.memref_squeeze %dma_wait3A_112 : memref<1x128x64xf32, #tpu.memory_space<vmem>> -> memref<128x64xf32, #tpu.memory_space<vmem>>
    tpu.wait_dma2 semaphore(%arg8 : memref<!tpu.dma_semaphore, #tpu.memory_space<semaphore_mem>>) src(%dma_wait3A_113 : memref<128x64xf32, #tpu.memory_space<vmem>>) dst(%dma_wait3A_109 : memref<128x64xf32, #tpu.memory_space<hbm>>)
    return
  }
}

</mosaic_0001>

<sc_bundles>
// kernel: kernel.3.cloned.1.call-start
scs
__scs_entry_jumppad:
0x0: {  	(pc) =	sbr.rel $0x88, $3  }
0x1: {  	(tag) =	ssettag $0x0;
	lr =	simm.s32 $0x1  }
0x2: {  	[smem:$0x3F9F] =	sst lr;
	_ =	strace $0xD0000000  }
0x3: {  	_ = 	snop  }
0x4: {  	_ = 	snop  }
0x5: {  	_ = 	snop  }
0x6: {  	_ = 	snop  }
0x7: {  	_ = 	snop  }
__scs_overlays_trampoline_lowered:
0x8: {  	[smem:$0x3FAE] =	sst s0  }
0x9: {  	[smem:$0x3FAF] =	sst s1  }
0xa: {  	[smem:$0x3FB0] =	sst s2  }
0xb: {  	[smem:$0x3FB1] =	sst s3  }
0xc: {  	[smem:$0x3FB2] =	sst s4  }
0xd: {  	[smem:$0x3FB3] =	sst s5  }
0xe: {  	[smem:$0x3FB4] =	sst s6  }
0xf: {  	[smem:$0x3FB5] =	sst s7  }
0x10: {  	[smem:$0x3FB6] =	sst s8  }
0x11: {  	[smem:$0x3FB7] =	sst s9;
	s0 =	simm.s32 @!p0 $0x0  }
0x12: {  	s1 =	sld [smem:$0x3F9D];
	s0 =	simm.s32 @p0 $0x1  }
0x13: {  	[smem:$0x3FB8] =	sst s0;
	s0 =	simm.s32 @!p1 $0x0  }
0x14: {  	s2 =	sld [smem:$0x3F9C];
	s0 =	simm.s32 @p1 $0x1  }
0x15: {  	[smem:$0x3FB9] =	sst s0;
	s0 =	simm.s32 @!p2 $0x0  }
0x16: {  	s3 =	sld [smem:$0x3FDB];
	s0 =	simm.s32 @p2 $0x1  }
0x17: {  	s4 =	simm.s32 $0x1BF5;
	[smem:$0x3FBB] =	sst s0  }
0x18: {  	s0 =	sld [smem:$0x3F9E];
	_ =	swait.ge [sflag:s4], $0x0  }
0x19: {  	s7 =	sld [smem:$0x3F9F]  }
0x1a: {  	s8 =	sadd.s32 $0xFFFFE003, lr  }
0x1b: {  	s9 =	sadd.s32 $0xFFFFFEF7, lr;
	s5 =	simm.s32 $0xFFFFFFFF;
	p2 =	slt.u32 s8, $0xFFFFF086  }
0x1c: {  	p1 =	slt.u32 s9, $0xF7A;
	s5 =	simm.s32 @!p2 $0x0  }
0x1d: {  	s5 =	simm.s32 @p1 $0x1;
	p0 =	seq.s32 s7, s2  }
0x1e: {  	s7 =	smul.u32 @!p0 $0xF7A, s2;
	p2 =	seq.s32 @!p0 s5, $0x0  }
0x1f: {  	s9 =	smul.u32 $0xF7A, s1;
	s8 =	simm.s32 @!p0 $0x1BF5;
	p2 =	por !p2, p0  }
0x20: {  	[sflag:s8] =	ssyncset.s32 @!p0 $0xFFFFF086;
	s6 =	sadd.s32 @!p0 s3, s7;
	s7 =	simm.s32 @!p0 $0x108  }
0x21: {  	s3 =	sadd.s32 s3, s9;
	s6 =	sadd.s32 @!p0 $0x88, s6;
	s7 =	simm.s32 @p2 $0x1082  }
0x22: {  	[simem:s7], [sflag:s8] =	dma.local @!p0 [hbm:s6], $0xF7A  }
0x23: {  	s9 =	sor.u32 $0xD0000000, s2;
	s6 =	simm.s32 $0x108;
	_ =	swait.ge @!p0 [sflag:s8], $0x0  }
0x24: {  	s3 =	sadd.s32 $0x88, s3;
	s6 =	simm.s32 @!p1 $0x1082;
	[sflag:s4] =	ssyncset.s32 $0xFFFFF086  }
0x25: {  	[simem:s6], [sflag:s4] =	dma.local [hbm:s3], $0xF7A  }
0x26: {  	[smem:$0x3F9F] =	sst s1;
	(tag) =	ssettag s2;
	_ =	strace s9  }
0x27: {  	s1 =	sld [smem:$0x3FAF]  }
0x28: {  	s2 =	sld [smem:$0x3FB0]  }
0x29: {  	s4 =	sld [smem:$0x3FB2]  }
0x2a: {  	p0 =	seq.s32 s5, $0x0;
	s5 =	sld [smem:$0x3FB3]  }
0x2b: {  	s6 =	sld [smem:$0x3FB4]  }
0x2c: {  	s7 =	sld [smem:$0x3FB5]  }
0x2d: {  	s3 =	simm.s32 $0x108;
	s8 =	sld [smem:$0x3FB6]  }
0x2e: {  	s3 =	simm.s32 @!p0 $0x1082;
	s9 =	sld [smem:$0x3FB7]  }
0x2f: {  	lr =	sadd.s32 s0, s3;
	s0 =	sld [smem:$0x3FAE]  }
0x30: {  	s3 =	sld [smem:$0x3FB1]  }
0x31: {  	[smem:$0x3FBA] =	sst s10  }
0x32: {  	s10 =	sld [smem:$0x3FB8];
	_ =	sdelay $0x3  }
0x33: {  	p0 =	seq.s32 s10, $0x1;
	s10 =	sld [smem:$0x3FBA];
	_ =	sdelay $0x3  }
0x34: {  	[smem:$0x3FBA] =	sst s10  }
0x35: {  	s10 =	sld [smem:$0x3FB9];
	_ =	sdelay $0x3  }
0x36: {  	p1 =	seq.s32 s10, $0x1;
	s10 =	sld [smem:$0x3FBA];
	_ =	sdelay $0x3  }
0x37: {  	[smem:$0x3FBA] =	sst s10  }
0x38: {  	s10 =	sld [smem:$0x3FBB]  }
0x39: {  	_ = 	snop;
	(pc) =	sbr.ind lr, $3  }
0x3a: {  	_ = 	snop  }
0x3b: {  	_ = 	snop  }
0x3c: {  	p2 =	seq.s32 s10, $0x1;
	s10 =	sld [smem:$0x3FBA]  }
0x3d: {  	_ =	shalt  }
0x3e: {  	_ =	shalt  }
0x3f: {  	_ =	shalt  }
0x40: {  	_ =	shalt  }
0x41: {  	_ =	shalt  }
0x42: {  	_ =	shalt  }
0x43: {  	_ =	shalt  }
0x44: {  	_ =	shalt  }
0x45: {  	_ =	shalt  }
0x46: {  	_ =	shalt  }
0x47: {  	_ =	shalt  }
0x48: {  	_ =	shalt  }
0x49: {  	_ =	shalt  }
0x4a: {  	_ =	shalt  }
0x4b: {  	_ =	shalt  }
0x4c: {  	_ =	shalt  }
0x4d: {  	_ =	shalt  }
0x4e: {  	_ =	shalt  }
0x4f: {  	_ =	shalt  }
0x50: {  	_ =	shalt  }
0x51: {  	_ =	shalt  }
0x52: {  	_ =	shalt  }
0x53: {  	_ =	shalt  }
0x54: {  	_ =	shalt  }
0x55: {  	_ =	shalt  }
0x56: {  	_ =	shalt  }
0x57: {  	_ =	shalt  }
0x58: {  	_ =	shalt  }
0x59: {  	_ =	shalt  }
0x5a: {  	_ =	shalt  }
0x5b: {  	_ =	shalt  }
0x5c: {  	_ =	shalt  }
0x5d: {  	_ =	shalt  }
0x5e: {  	_ =	shalt  }
0x5f: {  	_ =	shalt  }
0x60: {  	_ =	shalt  }
0x61: {  	_ =	shalt  }
0x62: {  	_ =	shalt  }
0x63: {  	_ =	shalt  }
0x64: {  	_ =	shalt  }
0x65: {  	_ =	shalt  }
0x66: {  	_ =	shalt  }
0x67: {  	_ =	shalt  }
0x68: {  	_ =	shalt  }
0x69: {  	_ =	shalt  }
0x6a: {  	_ =	shalt  }
0x6b: {  	_ =	shalt  }
0x6c: {  	_ =	shalt  }
0x6d: {  	_ =	shalt  }
0x6e: {  	_ =	shalt  }
0x6f: {  	_ =	shalt  }
0x70: {  	_ =	shalt  }
0x71: {  	_ =	shalt  }
0x72: {  	_ =	shalt  }
0x73: {  	_ =	shalt  }
0x74: {  	_ =	shalt  }
0x75: {  	_ =	shalt  }
0x76: {  	_ =	shalt  }
0x77: {  	_ =	shalt  }
0x78: {  	_ =	shalt  }
0x79: {  	_ =	shalt  }
0x7a: {  	_ =	shalt  }
0x7b: {  	_ =	shalt  }
0x7c: {  	_ =	shalt  }
0x7d: {  	_ =	shalt  }
0x7e: {  	_ =	shalt  }
0x7f: {  	_ =	shalt  }
0x80: {  	_ =	shalt  }
0x81: {  	_ =	shalt  }
0x82: {  	_ =	shalt  }
0x83: {  	_ =	shalt  }
0x84: {  	_ =	shalt  }
0x85: {  	_ =	shalt  }
0x86: {  	_ =	shalt  }
0x87: {  	_ =	shalt  }
.Lfunc_end0:
.L_simem_size_0:
called_computation.1_lowered:
.L_overlay_start_0:
0x88: {  	s2 =	sld [smem:$0x3FD9]  }
0x89: {  	s3 =	sld [smem:$0x3FFE];
	_ =	sdelay $0x1  }
0x8a: {  	s1 =	srdreg.scid  }
0x8b: {  	s0 =	sand.u32 $0x1, s1  }
0x8c: {  	s17 =	sshll.u32 s0, $0xA;
	s2 =	sadd.s32 s3, s2  }
0x8d: {  	s2 =	sadd.s32 s2, s17  }
0x8e: {  	[smem:$0x3FC6] =	sst s2  }
0x8f: {  	_ = 	snop  }
0x90: {  	s2 =	sld [smem:$0x3FD0];
	(tm) =	ssettm $0x1  }
0x91: {  	s18 =	sld [smem:$0x3FFB];
	_ =	sdelay $0x3  }
0x92: {  	_ =	strace s18  }
0x93: {  	s3 =	sld [smem:$0x3FFC];
	_ =	sdelay $0x3  }
0x94: {  	_ =	strace s3  }
0x95: {  	s3 =	sld [smem:$0x3FFD];
	_ =	sdelay $0x3  }
0x96: {  	_ =	strace s3  }
0x97: {  	_ =	strace $0x8FFFFFFF  }
0x98: {  	s19 =	sld [smem:$0x3FDB];
	_ =	sdelay $0x1  }
0x99: {  	s4 =	simm.s32 $_scs_section_size  }
0x9a: {  	s5 =	simm.s32 $_size__tile_overlayer_lowered;
	s6 =	simm.s32 $_tile_overlayer_lowered  }
0x9b: {  	s22 =	simm.s32 $0x1BFF;
	s21 =	sshll.u32 s6, $0x1;
	s3 =	sadd.s32 s4, s19  }
0x9c: {  	s7 =	simm.s32 $0x0;
	s20 =	sshll.u32 s5, $0x1;
	s5 =	sadd.s32 s21, s3  }
0x9d: {  	[timem:s7], [sflag:s22] =	dma.local [hbm:s5], s20  }
0x9e: {  	_ =	swait.ge [sflag:s22], s20  }
0x9f: {  	s4 =	ssub.s32 $0x0, s20;
	[sflag:s22] =	ssyncset.done $0x0  }
0xa0: {  	[sflag:s22] =	ssyncadd.s32 s4;
	_ =	sdelay $0x1  }
0xa1: {  	s23 =	simm.s32 $0x1B8B  }
0xa2: {  	_ =	swait.ge [sflag:s23], $0x1  }
0xa3: {  	[sflag:s23] =	ssyncset.done $0x0  }
0xa4: {  	s25 =	simm.s32 $0x1B8E;
	s24 =	sld [smem:$0x3FFE];
	[sflag:s23] =	ssyncadd.s32 $0xFFFFFFFF  }
0xa5: {  	s26 =	simm.s32 $execute0_lowered;
	[smem:$0x3FD2] =	sst s25  }
0xa6: {  	s5 =	sshll.u32 s26, $0x1;
	_ =	strace $0x80000046;
	[dreg:$0x1] =	wrdreg $0xFFFFFFFF  }
0xa7: {  	s28 =	simm.s32 $_size_execute0_lowered;
	s3 =	sadd.s32 s3, s5;
	[dreg:$0x0] =	wrdreg $0x0  }
0xa8: {  	s5 =	sshll.u32 s28, $0x1;
	[dreg:$0x2] =	wrdreg s3  }
0xa9: {  	[dreg:$0x3] =	wrdreg s5  }
0xaa: {  	[dreg:$0x4] =	wrdreg $0xC0  }
0xab: {  	_ =	task [dreg:s7], $0x5FFFF  }
0xac: {  	[dreg:$0x1] =	wrdreg $0xFFFFFFFF  }
0xad: {  	[dreg:$0x0] =	wrdreg $0x60  }
0xae: {  	[dreg:$0x2] =	wrdreg s24  }
0xaf: {  	[dreg:$0x3] =	wrdreg s2  }
0xb0: {  	[dreg:$0x4] =	wrdreg $0x9  }
0xb1: {  	_ =	task.clear_ibuf [dreg:s7], $0x5FFFF;
	_ =	strace $0x90000046  }
0xb2: {  	s29 =	simm.s32 $0x9;
	_ =	strace $0x80000048  }
0xb3: {  	_ =	swait.ge [sflag:s29], $0x1  }
0xb4: {  	[sflag:s29] =	ssyncadd.s32 $0xFFFFFFFF  }
0xb5: {  	_ =	strace $0x90000048  }
0xb6: {  	_ =	sfence  }
0xb7: {  	s30 =	sld [smem:$0x0];
	_ =	sdelay $0x2  }
0xb8: {  	s31 =	sshll.u32 s1, $0xD;
	s1 =	sshrl.u32 s1, $0x2  }
0xb9: {  	s3 =	sand.u32 $0x4000, s31;
	s1 =	sadd.s32 s1, s30  }
0xba: {  	s0 =	sor.u32 s3, s0;
	s1 =	sshll.u32 s1, $0x11  }
0xbb: {  	s0 =	sor.u32 s1, s0  }
0xbc: {  	s0 =	sadd.s32 $0x8F2B, s0  }
0xbd: {  	[sflag:s0] =	ssyncadd.remote.s32 $0x1  }
0xbe: {  	_ =	sfence.sel $0xFFFF  }
0xbf: {  	[dreg:$0x0] =	wrdreg $0xFFFFFFFF;
	(pc) =	sbr.abs _section_cstart, $3  }
0xc0: {  	[dreg:$0x1] =	wrdreg $0xFFFFFFFF  }
0xc1: {  	_ =	task.clear_ibuf [dreg:s7], $0x2FFFF;
	_ =	strace $0x9FFFFFFF  }
0xc2: {  	(tm) =	ssettm $0x7FFFFFFF  }
0xc3: {  	_ =	shalt  }
tec
execute0_lowered:
.L_overlay_start_1:
0x0: {  	(tag) =	ssettag $0x1  }
0x1: {  	s0 =	rddreg [dreg:$0x0]  }
0x2: {  	s1 =	rddreg [dreg:$0x1];
	s2 =	srdreg.scid;
	s3 =	simm.s32 $0x0  }
0x3: {  	s15 =	stileid.u32;
	s17 =	simm.s32 $0x3;
	s18 =	simm.s32 $0x6400  }
0x4: {  	s19 =	simm.s32 $0x8400;
	s21 =	simm.s32 $0xA400;
	s23 =	simm.s32 $0xC400  }
0x5: {  	s28 =	simm.s32 $0x10400;
	s30 =	simm.s32 $0x12400;
	s16 =	simm.s32 $0x2  }
0x6: {  	s20 =	simm.s32 $0x1;
	s22 =	simm.s32 $0x0;
	s2 =	sand.u32 $0x1, s2  }
0x7: {  	[smem:$0x7FF] =	sst s3;
	s25 =	sshll.u32 s15, $0x8;
	s3 =	sadd.s32 $0xF42E00, s0  }
0x8: {  	s12 =	sadd.s32 $0xA00, s0;
	s11 =	sadd.s32 $0x10A00, s0;
	s13 =	sadd.s32 $0x20A00, s0  }
0x9: {  	s0 =	sadd.s32 $0x30A00, s0;
	s31 =	sshll.u32 s15, $0xC;
	s15 =	simm.s32 $0x80  }
0xa: {  	s4 =	sshll.u32 s2, $0x7;
	_ =	strace $0x80000047;
	s5 =	ssub.s32 $0x2, s2  }
0xb: {  	s2 =	sshll.u32 s2, $0xB;
	s6 =	sor.u32 s4, s25;
	s26 =	sshrl.u32 s5, $0x1  }
0xc: {  	s25 =	simm.s32 $0xE400;
	s7 =	sshrl.u32 s6, $0x3;
	s5 =	ssub.s32 s5, s26  }
0xd: {  	s29 =	sshll.u32 s6, $0x4;
	s1 =	sadd.s32 s1, s7;
	s4 =	smax.u32 s5, $0x1  }
0xe: {  	s6 =	sadd.s32 s12, s29;
	s7 =	sadd.s32 s29, s11;
	s8 =	sadd.s32 s29, s13  }
0xf: {  	s14 =	sor.u32 $0xC40000, s29;
	s9 =	sadd.s32 s29, s0;
	[dreg:$0x3] =	wrdreg s1  }
0x10: {  	[dreg:$0x4] =	wrdreg s4;
	s10 =	sadd.s32 s12, s14;
	s11 =	sadd.s32 s14, s11  }
0x11: {  	s1 =	sadd.s32 s31, s12;
	s12 =	sadd.s32 s14, s13;
	s13 =	sadd.s32 s14, s0  }
0x12: {  	s0 =	simm.s32 $0x14400;
	s14 =	sadd.s32 s2, s1;
	s1 =	simm.s32 $0x40  }
.LBB2_1:
0x13: {  	s2 =	simm.s32 $0x0;
	s4 =	rddreg [dreg:$0x3];
	s5 =	simm.s32 $0x1000  }
0x14: {  	[tilespmem:s2], [sflag:$0x3] =	stream.strided.gather [hbm4b:s4+s15], $0x6400, s5, s15, $0x38;
	[tilespmem:$0x16400] =	vst v63  }
0x15: {  	_ =	swait.ge [sflag:s17], $0x6400  }
0x16: {  	[sflag:s17] =	ssyncset.done $0x0  }
0x17: {  	[sflag:s17] =	ssyncadd.s32 $0xFFFF9C00  }
0x18: {  	[tilespmem:s18], [sflag:$0x1] =	stream.indirect.gather [hbm4b:s3+s15], $0x40, s2, s15, $0xb8;
	[tilespmem:$0x16400] =	vst v63  }
0x19: {  	_ = 	snop  }
0x1a: {  	[tilespmem:s19], [sflag:$0x1] =	stream.indirect.gather [hbm4b:s3+s15], $0x40, s15, s15, $0xb8;
	[tilespmem:$0x16400] =	vst v63  }
0x1b: {  	s5 =	simm.s32 $0x100  }
0x1c: {  	[tilespmem:s21], [sflag:$0x1] =	stream.indirect.gather [hbm4b:s3+s15], $0x40, s5, s15, $0xb8;
	[tilespmem:$0x16400] =	vst v63  }
0x1d: {  	s24 =	simm.s32 $0x180  }
0x1e: {  	[tilespmem:s23], [sflag:$0x1] =	stream.indirect.gather [hbm4b:s3+s15], $0x40, s24, s15, $0xb8;
	[tilespmem:$0x16400] =	vst v63  }
0x1f: {  	s26 =	simm.s32 $0x200  }
0x20: {  	[tilespmem:s25], [sflag:$0x1] =	stream.indirect.gather [hbm4b:s3+s15], $0x40, s26, s15, $0xb8;
	[tilespmem:$0x16400] =	vst v63  }
0x21: {  	s4 =	simm.s32 $0x280  }
0x22: {  	[tilespmem:s28], [sflag:$0x1] =	stream.indirect.gather [hbm4b:s3+s15], $0x40, s4, s15, $0xb8;
	[tilespmem:$0x16400] =	vst v63  }
0x23: {  	s5 =	simm.s32 $0x300  }
0x24: {  	[tilespmem:s30], [sflag:$0x1] =	stream.indirect.gather [hbm4b:s3+s15], $0x40, s5, s15, $0xb8;
	[tilespmem:$0x16400] =	vst v63  }
0x25: {  	s24 =	simm.s32 $0x380  }
0x26: {  	[tilespmem:s0], [sflag:$0x1] =	stream.indirect.gather [hbm4b:s3+s15], $0x40, s24, s15, $0xb8;
	[tilespmem:$0x16400] =	vst v63  }
0x27: {  	_ =	swait.ge [sflag:s20], $0x2000  }
0x28: {  	[sflag:s20] =	ssyncset.done $0x0  }
0x29: {  	[sflag:s20] =	ssyncadd.s32 $0xFFFFE000  }
0x2a: {  	_ =	swait.ge [sflag:s20], $0x2000  }
0x2b: {  	[sflag:s20] =	ssyncset.done $0x0  }
0x2c: {  	[sflag:s20] =	ssyncadd.s32 $0xFFFFE000  }
0x2d: {  	_ =	swait.ge [sflag:s20], $0x2000  }
0x2e: {  	[sflag:s20] =	ssyncset.done $0x0  }
0x2f: {  	[sflag:s20] =	ssyncadd.s32 $0xFFFFE000  }
0x30: {  	_ =	swait.ge [sflag:s20], $0x2000  }
0x31: {  	[sflag:s20] =	ssyncset.done $0x0  }
0x32: {  	[sflag:s20] =	ssyncadd.s32 $0xFFFFE000  }
0x33: {  	[hbm4b:s6+s1] =	stream.strided.scatter [tilespmem:s18], [sflag:$0x2], $0x2000, s15, s1, $0x38;
	[tilespmem:$0x16400] =	vst v63  }
0x34: {  	_ = 	snop  }
0x35: {  	[hbm4b:s7+s1] =	stream.strided.scatter [tilespmem:s19], [sflag:$0x2], $0x2000, s15, s1, $0x38;
	[tilespmem:$0x16400] =	vst v63  }
0x36: {  	_ = 	snop  }
0x37: {  	[hbm4b:s8+s1] =	stream.strided.scatter [tilespmem:s21], [sflag:$0x2], $0x2000, s15, s1, $0x38;
	[tilespmem:$0x16400] =	vst v63  }
0x38: {  	_ = 	snop  }
0x39: {  	[hbm4b:s9+s1] =	stream.strided.scatter [tilespmem:s23], [sflag:$0x2], $0x2000, s15, s1, $0x38;
	[tilespmem:$0x16400] =	vst v63  }
0x3a: {  	_ =	swait.ge [sflag:s16], $0x2000  }
0x3b: {  	[sflag:s16] =	ssyncset.done $0x0  }
0x3c: {  	[sflag:s16] =	ssyncadd.s32 $0xFFFFE000  }
0x3d: {  	_ =	swait.ge [sflag:s16], $0x2000  }
0x3e: {  	[sflag:s16] =	ssyncset.done $0x0  }
0x3f: {  	[sflag:s16] =	ssyncadd.s32 $0xFFFFE000  }
0x40: {  	_ =	swait.ge [sflag:s16], $0x2000  }
0x41: {  	[sflag:s16] =	ssyncset.done $0x0  }
0x42: {  	[sflag:s16] =	ssyncadd.s32 $0xFFFFE000  }
0x43: {  	s26 =	simm.s32 $0x8000;
	_ =	swait.ge [sflag:s16], $0x2000  }
0x44: {  	s2 =	sand.u32 $0x8000, s26;
	[sflag:s16] =	ssyncset.done $0x0  }
0x45: {  	s26 =	simm.s32 $0x400;
	s24 =	sxor.u32 $0xE400, s2;
	[sflag:s16] =	ssyncadd.s32 $0xFFFFE000  }
0x46: {  	[tilespmem:s24], [sflag:$0x1] =	stream.indirect.gather [hbm4b:s3+s15], $0x40, s26, s15, $0xb8;
	[tilespmem:$0x16400] =	vst v63  }
0x47: {  	s4 =	ssub.s32 $0x10400, s2;
	s5 =	simm.s32 $0x480  }
0x48: {  	[tilespmem:s4], [sflag:$0x1] =	stream.indirect.gather [hbm4b:s3+s15], $0x40, s5, s15, $0xb8;
	[tilespmem:$0x16400] =	vst v63  }
0x49: {  	s4 =	ssub.s32 $0x12400, s2;
	s5 =	simm.s32 $0x500  }
0x4a: {  	[tilespmem:s4], [sflag:$0x1] =	stream.indirect.gather [hbm4b:s3+s15], $0x40, s5, s15, $0xb8;
	[tilespmem:$0x16400] =	vst v63  }
0x4b: {  	s4 =	simm.s32 $0x580;
	s5 =	ssub.s32 $0x14400, s2  }
0x4c: {  	[tilespmem:s5], [sflag:$0x1] =	stream.indirect.gather [hbm4b:s3+s15], $0x40, s4, s15, $0xb8;
	[tilespmem:$0x16400] =	vst v63  }
0x4d: {  	_ =	swait.ge [sflag:s20], $0x2000  }
0x4e: {  	[sflag:s20] =	ssyncset.done $0x0  }
0x4f: {  	[sflag:s20] =	ssyncadd.s32 $0xFFFFE000  }
0x50: {  	_ =	swait.ge [sflag:s20], $0x2000  }
0x51: {  	[sflag:s20] =	ssyncset.done $0x0  }
0x52: {  	[sflag:s20] =	ssyncadd.s32 $0xFFFFE000  }
0x53: {  	_ =	swait.ge [sflag:s20], $0x2000  }
0x54: {  	[sflag:s20] =	ssyncset.done $0x0  }
0x55: {  	[sflag:s20] =	ssyncadd.s32 $0xFFFFE000  }
0x56: {  	_ =	swait.ge [sflag:s20], $0x2000  }
0x57: {  	s29 =	sadd.s32 $0x0, s14;
	[sflag:s20] =	ssyncset.done $0x0  }
0x58: {  	s4 =	sor.u32 $0x6400, s2;
	s5 =	sadd.s32 $0x40000, s29;
	[sflag:s20] =	ssyncadd.s32 $0xFFFFE000  }
0x59: {  	[hbm4b:s5+s1] =	stream.strided.scatter [tilespmem:s4], [sflag:$0x2], $0x2000, s15, s1, $0x38;
	[tilespmem:$0x16400] =	vst v63  }
0x5a: {  	s31 =	sadd.s32 $0xC400, s2;
	s4 =	sadd.s32 $0x8400, s2;
	s5 =	sadd.s32 $0x50000, s29  }
0x5b: {  	[hbm4b:s5+s1] =	stream.strided.scatter [tilespmem:s4], [sflag:$0x2], $0x2000, s15, s1, $0x38;
	[tilespmem:$0x16400] =	vst v63  }
0x5c: {  	s24 =	simm.s32 $0x40000;
	s26 =	simm.s32 $0x780;
	s4 =	sadd.s32 $0xA400, s2  }
0x5d: {  	s5 =	sadd.s32 $0x60000, s29;
	s2 =	sadd.s32 $0x70000, s29;
	s29 =	simm.s32 $0x2  }
0x5e: {  	[hbm4b:s5+s1] =	stream.strided.scatter [tilespmem:s4], [sflag:$0x2], $0x2000, s15, s1, $0x38;
	[tilespmem:$0x16400] =	vst v63  }
.LBB2_2:
0x5f: {  	[hbm4b:s2+s1] =	stream.strided.scatter [tilespmem:s31], [sflag:$0x2], $0x2000, s15, s1, $0x38;
	[tilespmem:$0x16400] =	vst v63  }
0x60: {  	s31 =	smov.u32 s24  }
0x61: {  	p0 =	sne.s32 s24, $0xBC0000;
	s24 =	sadd.s32 $0x40000, s24;
	_ =	swait.ge [sflag:s16], $0x2000  }
0x62: {  	[sflag:s16] =	ssyncset.done $0x0  }
0x63: {  	[sflag:s16] =	ssyncadd.s32 $0xFFFFE000  }
0x64: {  	_ =	swait.ge [sflag:s16], $0x2000  }
0x65: {  	[sflag:s16] =	ssyncset.done $0x0  }
0x66: {  	[sflag:s16] =	ssyncadd.s32 $0xFFFFE000  }
0x67: {  	_ =	swait.ge [sflag:s16], $0x2000  }
0x68: {  	[sflag:s16] =	ssyncset.done $0x0  }
0x69: {  	[sflag:s16] =	ssyncadd.s32 $0xFFFFE000  }
0x6a: {  	s2 =	sshll.u32 s29, $0xF;
	_ =	swait.ge [sflag:s16], $0x2000  }
0x6b: {  	s2 =	sand.u32 $0x8000, s2;
	[sflag:s16] =	ssyncset.done $0x0  }
0x6c: {  	s5 =	sadd.s32 $0xFFFFFE80, s26;
	s4 =	sxor.u32 $0xE400, s2;
	[sflag:s16] =	ssyncadd.s32 $0xFFFFE000  }
0x6d: {  	[tilespmem:s4], [sflag:$0x1] =	stream.indirect.gather [hbm4b:s3+s15], $0x40, s5, s15, $0xb8;
	[tilespmem:$0x16400] =	vst v63  }
0x6e: {  	s4 =	ssub.s32 $0x10400, s2;
	s5 =	sadd.s32 $0xFFFFFF00, s26  }
0x6f: {  	[tilespmem:s4], [sflag:$0x1] =	stream.indirect.gather [hbm4b:s3+s15], $0x40, s5, s15, $0xb8;
	[tilespmem:$0x16400] =	vst v63  }
0x70: {  	s4 =	ssub.s32 $0x12400, s2;
	s5 =	sadd.s32 $0xFFFFFF80, s26  }
0x71: {  	[tilespmem:s4], [sflag:$0x1] =	stream.indirect.gather [hbm4b:s3+s15], $0x40, s5, s15, $0xb8;
	[tilespmem:$0x16400] =	vst v63  }
0x72: {  	s4 =	ssub.s32 $0x14400, s2  }
0x73: {  	[tilespmem:s4], [sflag:$0x1] =	stream.indirect.gather [hbm4b:s3+s15], $0x40, s26, s15, $0xb8;
	[tilespmem:$0x16400] =	vst v63  }
0x74: {  	_ =	swait.ge [sflag:s20], $0x2000  }
0x75: {  	[sflag:s20] =	ssyncset.done $0x0  }
0x76: {  	[sflag:s20] =	ssyncadd.s32 $0xFFFFE000  }
0x77: {  	_ =	swait.ge [sflag:s20], $0x2000  }
0x78: {  	[sflag:s20] =	ssyncset.done $0x0  }
0x79: {  	[sflag:s20] =	ssyncadd.s32 $0xFFFFE000  }
0x7a: {  	_ =	swait.ge [sflag:s20], $0x2000  }
0x7b: {  	[sflag:s20] =	ssyncset.done $0x0  }
0x7c: {  	[sflag:s20] =	ssyncadd.s32 $0xFFFFE000  }
0x7d: {  	_ =	swait.ge [sflag:s20], $0x2000  }
0x7e: {  	s4 =	sadd.s32 s31, s14;
	[sflag:s20] =	ssyncset.done $0x0  }
0x7f: {  	s5 =	sor.u32 $0x6400, s2;
	s31 =	sadd.s32 $0x40000, s4;
	[sflag:s20] =	ssyncadd.s32 $0xFFFFE000  }
0x80: {  	[hbm4b:s31+s1] =	stream.strided.scatter [tilespmem:s5], [sflag:$0x2], $0x2000, s15, s1, $0x38;
	[tilespmem:$0x16400] =	vst v63  }
.Ltmp0:
0x81: {  	s5 =	sadd.s32 $0x8400, s2;
	s31 =	sadd.s32 $0x50000, s4;
	(pc) =	sbr.rel @p0 .LBB2_2-.Ltmp0, $4  }
0x82: {  	[hbm4b:s31+s1] =	stream.strided.scatter [tilespmem:s5], [sflag:$0x2], $0x2000, s15, s1, $0x38;
	[tilespmem:$0x16400] =	vst v63  }
0x83: {  	s26 =	sadd.s32 $0x200, s26;
	s5 =	sadd.s32 $0xA400, s2;
	s31 =	sadd.s32 $0x60000, s4  }
0x84: {  	[hbm4b:s31+s1] =	stream.strided.scatter [tilespmem:s5], [sflag:$0x2], $0x2000, s15, s1, $0x38;
	[tilespmem:$0x16400] =	vst v63  }
0x85: {  	s29 =	sadd.s32 $0x1, s29;
	s31 =	sadd.s32 $0xC400, s2;
	s2 =	sadd.s32 $0x70000, s4  }
0x86: {  	[hbm4b:s2+s1] =	stream.strided.scatter [tilespmem:s31], [sflag:$0x2], $0x2000, s15, s1, $0x38;
	[tilespmem:$0x16400] =	vst v63  }
0x87: {  	_ =	swait.ge [sflag:s16], $0x2000  }
0x88: {  	[sflag:s16] =	ssyncset.done $0x0  }
0x89: {  	[sflag:s16] =	ssyncadd.s32 $0xFFFFE000  }
0x8a: {  	_ =	swait.ge [sflag:s16], $0x2000  }
0x8b: {  	[sflag:s16] =	ssyncset.done $0x0  }
0x8c: {  	[sflag:s16] =	ssyncadd.s32 $0xFFFFE000  }
0x8d: {  	_ =	swait.ge [sflag:s16], $0x2000  }
0x8e: {  	[sflag:s16] =	ssyncset.done $0x0  }
0x8f: {  	[sflag:s16] =	ssyncadd.s32 $0xFFFFE000  }
0x90: {  	_ =	swait.ge [sflag:s16], $0x2000  }
0x91: {  	[sflag:s16] =	ssyncset.done $0x0  }
0x92: {  	[sflag:s16] =	ssyncadd.s32 $0xFFFFE000  }
0x93: {  	_ =	swait.ge [sflag:s20], $0x2000  }
0x94: {  	[sflag:s20] =	ssyncset.done $0x0  }
0x95: {  	[sflag:s20] =	ssyncadd.s32 $0xFFFFE000  }
0x96: {  	_ =	swait.ge [sflag:s20], $0x2000  }
0x97: {  	[sflag:s20] =	ssyncset.done $0x0  }
0x98: {  	[sflag:s20] =	ssyncadd.s32 $0xFFFFE000  }
0x99: {  	_ =	swait.ge [sflag:s20], $0x2000  }
0x9a: {  	[sflag:s20] =	ssyncset.done $0x0  }
0x9b: {  	[sflag:s20] =	ssyncadd.s32 $0xFFFFE000  }
0x9c: {  	_ =	swait.ge [sflag:s20], $0x2000  }
0x9d: {  	[sflag:s20] =	ssyncset.done $0x0  }
0x9e: {  	[sflag:s20] =	ssyncadd.s32 $0xFFFFE000  }
0x9f: {  	[hbm4b:s10+s1] =	stream.strided.scatter [tilespmem:s25], [sflag:$0x2], $0x2000, s15, s1, $0x38;
	[tilespmem:$0x16400] =	vst v63  }
0xa0: {  	_ = 	snop  }
0xa1: {  	[hbm4b:s11+s1] =	stream.strided.scatter [tilespmem:s28], [sflag:$0x2], $0x2000, s15, s1, $0x38;
	[tilespmem:$0x16400] =	vst v63  }
0xa2: {  	_ = 	snop  }
0xa3: {  	[hbm4b:s12+s1] =	stream.strided.scatter [tilespmem:s30], [sflag:$0x2], $0x2000, s15, s1, $0x38;
	[tilespmem:$0x16400] =	vst v63  }
0xa4: {  	_ = 	snop  }
0xa5: {  	[hbm4b:s13+s1] =	stream.strided.scatter [tilespmem:s0], [sflag:$0x2], $0x2000, s15, s1, $0x38;
	[tilespmem:$0x16400] =	vst v63  }
0xa6: {  	_ =	swait.ge [sflag:s16], $0x2000  }
0xa7: {  	[sflag:s16] =	ssyncset.done $0x0  }
0xa8: {  	[sflag:s16] =	ssyncadd.s32 $0xFFFFE000  }
0xa9: {  	_ =	swait.ge [sflag:s16], $0x2000  }
0xaa: {  	[sflag:s16] =	ssyncset.done $0x0  }
0xab: {  	[sflag:s16] =	ssyncadd.s32 $0xFFFFE000  }
0xac: {  	_ =	swait.ge [sflag:s16], $0x2000  }
0xad: {  	[sflag:s16] =	ssyncset.done $0x0  }
0xae: {  	[sflag:s16] =	ssyncadd.s32 $0xFFFFE000  }
0xaf: {  	_ =	swait.ge [sflag:s16], $0x2000  }
0xb0: {  	s22 =	sadd.s32 $0x1, s22;
	s31 =	rddreg [dreg:$0x4]  }
0xb1: {  	p0 =	sne.s32 s22, s31  }
.Ltmp1:
0xb2: {  	_ = 	snop;
	(pc) =	sbr.rel @p0 .LBB2_1-.Ltmp1, $3  }
0xb3: {  	_ =	sdelay $0x1  }
0xb4: {  	[sflag:s16] =	ssyncset.done $0x0  }
0xb5: {  	[sflag:s16] =	ssyncadd.s32 $0xFFFFE000  }
0xb6: {  	_ =	sfence.sel $0x180000  }
0xb7: {  	[bflag:$0x0] =	sbarrier.arrive $0xFFFF  }
0xb8: {  	_ =	strace $0x90000047  }
0xb9: {  	s0 =	stileid.u32;
	[bflag:$0x2] =	sbarrier.arrive $0xFFFF  }
0xba: {  	p0 =	sne.s32 s0, $0x0;
	s0 =	rddreg [dreg:$0x2]  }
0xbb: {  	s0 =	sadd.s32 @!p0 $0x100000, s0  }
0xbc: {  	[sflag:s0] =	ssyncadd.tile.s32 @!p0 $0x1;
	_ =	shalt  }
.Lfunc_end2:
_tile_overlayer_lowered:
.L_overlay_start_2:
0xbd: {  	(tag) =	ssettag $0x2  }
0xbe: {  	s0 =	rddreg [dreg:$0x0];
	s2 =	stileid.u32  }
0xbf: {  	s1 =	rddreg [dreg:$0x1];
	p0 =	sne.s32 s2, $0x0  }
0xc0: {  	s3 =	rddreg [dreg:$0x2];
	[bflag:$0x3] =	sbarrier.arrive $0xFFFF;
	s2 =	simm.s32 @!p0 $0x1C03  }
0xc1: {  	[timem:s3], [sflag:s2] =	dma.local @!p0 [hbm:s0], s1  }
0xc2: {  	s0 =	simm.s32 @!p0 $0x3  }
0xc3: {  	_ =	swait.ge @!p0 [sflag:s0], s1  }
0xc4: {  	s1 =	ssub.s32 @!p0 $0x0, s1;
	[sflag:s0] =	ssyncset.done @!p0 $0x0  }
0xc5: {  	[sflag:s0] =	ssyncadd.s32 @!p0 s1  }
0xc6: {  	[bflag:$0x3] =	sbarrier.arrive $0xFFFF  }
0xc7: {  	_ =	shalt  }

// kernel: sparse-core-data-format-call.cloned.1.call-start
scs
called_computation_lowered:
.L_overlay_start_0:
0x0: {  	s2 =	sld [smem:$0x3FD9]  }
0x1: {  	s3 =	sld [smem:$0x3FFE];
	_ =	sdelay $0x1  }
0x2: {  	s1 =	srdreg.scid  }
0x3: {  	s0 =	sand.u32 $0x1, s1  }
0x4: {  	s18 =	sshll.u32 s0, $0xA;
	s2 =	sadd.s32 s3, s2  }
0x5: {  	s2 =	sadd.s32 s2, s18  }
0x6: {  	[smem:$0x3FC6] =	sst s2  }
0x7: {  	_ = 	snop  }
0x8: {  	s2 =	sld [smem:$0x3FD0];
	(tm) =	ssettm $0x1  }
0x9: {  	s19 =	sld [smem:$0x3FFB];
	_ =	sdelay $0x3  }
0xa: {  	_ =	strace s19  }
0xb: {  	s3 =	sld [smem:$0x3FFC];
	_ =	sdelay $0x3  }
0xc: {  	_ =	strace s3  }
0xd: {  	s3 =	sld [smem:$0x3FFD];
	_ =	sdelay $0x3  }
0xe: {  	_ =	strace s3  }
0xf: {  	_ =	strace $0x8FFFFFFF  }
0x10: {  	s20 =	sld [smem:$0x3FDB];
	_ =	sdelay $0x1  }
0x11: {  	s4 =	simm.s32 $_scs_section_size  }
0x12: {  	s5 =	simm.s32 $_size__tile_overlayer_lowered;
	s6 =	simm.s32 $_tile_overlayer_lowered  }
0x13: {  	s23 =	simm.s32 $0x1BFF;
	s22 =	sshll.u32 s6, $0x1;
	s3 =	sadd.s32 s4, s20  }
0x14: {  	s7 =	simm.s32 $0x0;
	s21 =	sshll.u32 s5, $0x1;
	s5 =	sadd.s32 s22, s3  }
0x15: {  	[timem:s7], [sflag:s23] =	dma.local [hbm:s5], s21  }
0x16: {  	_ =	swait.ge [sflag:s23], s21  }
0x17: {  	s4 =	ssub.s32 $0x0, s21;
	[sflag:s23] =	ssyncset.done $0x0  }
0x18: {  	[sflag:s23] =	ssyncadd.s32 s4;
	_ =	sdelay $0x1  }
0x19: {  	s24 =	simm.s32 $0x1B8B  }
0x1a: {  	_ =	swait.ge [sflag:s24], $0x1  }
0x1b: {  	[sflag:s24] =	ssyncset.done $0x0  }
0x1c: {  	s26 =	simm.s32 $0x1B8E;
	s25 =	sld [smem:$0x3FFE];
	[sflag:s24] =	ssyncadd.s32 $0xFFFFFFFF  }
0x1d: {  	s27 =	simm.s32 $execute0_lowered;
	[smem:$0x3FD2] =	sst s26  }
0x1e: {  	s5 =	sshll.u32 s27, $0x1;
	_ =	strace $0x80000049;
	[dreg:$0x1] =	wrdreg $0xFFFFFFFF  }
0x1f: {  	s28 =	simm.s32 $_size_execute0_lowered;
	s3 =	sadd.s32 s3, s5;
	[dreg:$0x0] =	wrdreg $0x0  }
0x20: {  	s5 =	sshll.u32 s28, $0x1;
	[dreg:$0x2] =	wrdreg s3  }
0x21: {  	[dreg:$0x3] =	wrdreg s5  }
0x22: {  	[dreg:$0x4] =	wrdreg $0xC0  }
0x23: {  	_ =	task [dreg:s7], $0x5FFFF  }
0x24: {  	[dreg:$0x1] =	wrdreg $0xFFFFFFFF  }
0x25: {  	[dreg:$0x0] =	wrdreg $0x60  }
0x26: {  	[dreg:$0x2] =	wrdreg s25  }
0x27: {  	[dreg:$0x3] =	wrdreg s2  }
0x28: {  	[dreg:$0x4] =	wrdreg $0x9  }
0x29: {  	_ =	task.clear_ibuf [dreg:s7], $0x5FFFF;
	_ =	strace $0x90000049  }
0x2a: {  	s29 =	simm.s32 $0x9;
	_ =	strace $0x8000004B  }
0x2b: {  	_ =	swait.ge [sflag:s29], $0x1  }
0x2c: {  	[sflag:s29] =	ssyncadd.s32 $0xFFFFFFFF  }
0x2d: {  	_ =	strace $0x9000004B  }
0x2e: {  	_ =	sfence  }
0x2f: {  	s30 =	sld [smem:$0x0];
	_ =	sdelay $0x2  }
0x30: {  	s31 =	sshll.u32 s1, $0xD;
	s1 =	sshrl.u32 s1, $0x2  }
0x31: {  	s3 =	sand.u32 $0x4000, s31;
	s1 =	sadd.s32 s1, s30  }
0x32: {  	s0 =	sor.u32 s3, s0;
	s1 =	sshll.u32 s1, $0x11  }
0x33: {  	s0 =	sor.u32 s1, s0  }
0x34: {  	s0 =	sadd.s32 $0x8F2B, s0  }
0x35: {  	[sflag:s0] =	ssyncadd.remote.s32 $0x1  }
0x36: {  	_ =	sfence.sel $0xFFFF  }
0x37: {  	[dreg:$0x0] =	wrdreg $0xFFFFFFFF;
	(pc) =	sbr.abs _section_cstart, $3  }
0x38: {  	[dreg:$0x1] =	wrdreg $0xFFFFFFFF  }
0x39: {  	_ =	task.clear_ibuf [dreg:s7], $0x2FFFF;
	_ =	strace $0x9FFFFFFF  }
0x3a: {  	(tm) =	ssettm $0x7FFFFFFF  }
0x3b: {  	_ =	shalt  }
tec
execute0_lowered:
.L_overlay_start_1:
0x0: {  	(tag) =	ssettag $0x1  }
0x1: {  	s0 =	srdreg.scid  }
0x2: {  	s1 =	sshll.u32 s0, $0x4  }
0x3: {  	s5 =	rddreg [dreg:$0x0];
	s0 =	stileid.u32;
	s1 =	sand.u32 $0x10, s1  }
0x4: {  	s3 =	rddreg [dreg:$0x1];
	s31 =	simm.s32 $0x2;
	s4 =	sor.u32 s0, s1  }
0x5: {  	s13 =	simm.s32 $0x0;
	s9 =	simm.s32 $0x400;
	s2 =	sshll.u32 s4, $0x7  }
0x6: {  	s10 =	simm.s32 $0x8000;
	s14 =	simm.s32 $0x0;
	s6 =	ssub.s32 $0x1000, s2  }
0x7: {  	s1 =	rddreg [dreg:$0x2];
	_ =	strace $0x8000004A;
	s7 =	sand.u32 $0xF80, s6  }
0x8: {  	s4 =	sshll.u32 s4, $0xB;
	p0 =	sne.s32 s7, $0x0;
	s7 =	simm.s32 $0x1  }
.Ltmp0:
0x9: {  	s6 =	sshrl.u32 s6, $0xC;
	s7 =	simm.s32 @!p0 $0x0;
	(pc) =	sbr.rel .LBB1_1-.Ltmp0, $4  }
0xa: {  	s8 =	sadd.s32 s4, s5;
	s4 =	simm.s32 $0x1;
	s30 =	sadd.s32 s7, s6  }
0xb: {  	s11 =	simm.s32 $0x0;
	[sflag:s4] =	ssyncpa.u1 $0x0;
	s5 =	smul.u32 $0x64, s30  }
0xc: {  	s12 =	simm.s32 $0x0;
	[sflag:s31] =	ssyncpa.u1 $0x0;
	p0 =	por $0x0, $0x0  }
0xd: {  	s6 =	sadd.s32 $0xA00, s8;
	s7 =	sadd.s32 $0x10A00, s8;
	s8 =	sor.u32 $0x1, s5  }
.LBB1_7:
0xe: {  	s15 =	sadd.s32 $0x2, s11  }
0xf: {  	p2 =	sgt.s32 s15, $0xC7  }
0x10: {  	s15 =	simm.s32 @p2 $0x0;
	p2 =	sne.s32 s12, s8  }
.Ltmp1:
0x11: {  	p1 =	slt.u32 s12, $0x2;
	(pc) =	sbr.rel @!p2 .LBB1_8-.Ltmp1, $4  }
0x12: {  	s13 =	simm.s32 @!p1 $0x2  }
0x13: {  	s16 =	sadd.s32 $0x1, s12;
	s14 =	smov.u32 s11;
	_ =	swait.ge @!p1 [sflag:s13], $0x4000  }
0x14: {  	p0 =	por !p0, !p0;
	s12 =	smov.u32 s16;
	[sflag:s13] =	ssyncset.done @!p1 $0x0  }
0x15: {  	s11 =	smov.u32 s15;
	[sflag:s13] =	ssyncadd.s32 @!p1 $0xFFFFC000;
	s13 =	smov.u32 s2  }
.LBB1_1:
0x16: {  	p1 =	sge.u32 s12, s5  }
0x17: {  	s15 =	sxor.u32 @!p1 $0xFFFFFFFF, s12  }
0x18: {  	s16 =	sshll.u32 @!p1 s11, $0x10;
	s18 =	simm.s32 @!p1 $0x40;
	s15 =	sshll.u32 @!p1 s15, $0xE  }
0x19: {  	s19 =	simm.s32 @!p1 $0x80;
	s17 =	sadd.s32 @!p1 s16, s6;
	s15 =	sand.u32 @!p1 $0x4000, s15  }
0x1a: {  	[tilespmem:s15], [sflag:$0x1] =	stream.strided.gather @!p1 [hbm4b:s17+s18], $0x2000, s19, s18, $0x38;
	[tilespmem:$0x10100] =	vst v63  }
0x1b: {  	s31 =	sadd.s32 $0xFFFFFFFF, s12;
	s16 =	sadd.s32 @!p1 s16, s7;
	s15 =	sor.u32 @!p1 $0x2000, s15  }
0x1c: {  	[tilespmem:s15], [sflag:$0x1] =	stream.strided.gather @!p1 [hbm4b:s16+s18], $0x2000, s19, s18, $0x38;
	[tilespmem:$0x10100] =	vst v63  }
0x1d: {  	p1 =	sge.u32 s31, s5  }
.Ltmp2:
0x1e: {  	_ = 	snop;
	(pc) =	sbr.rel @p1 .LBB1_7-.Ltmp2, $1  }
0x1f: {  	_ =	sdelay $0x3  }
0x20: {  	s15 =	simm.s32 $0x1;
	s17 =	sand.u32 $0x1, s12  }
0x21: {  	_ =	swait.ge [sflag:s4], $0x4000;
	s15 =	simm.s32 @!p0 $0x0;
	s17 =	smul.u32 $0x10200, s17  }
0x22: {  	p2 =	por $0x1, $0x1;
	[sflag:s4] =	ssyncset.done $0x0;
	s16 =	smul.u32 $0x10200, s15  }
0x23: {  	s18 =	sshll.u32 s15, $0x10;
	[sflag:s4] =	ssyncadd.s32 $0xFFFFC000;
	s30 =	sshrl.u32 s17, $0x2  }
0x24: {  	s31 =	sshrl.u32 s18, $0x2;
	s18 =	simm.s32 $0x0;
	s16 =	sshrl.u32 s16, $0x2  }
0x25: {  	s15 =	sor.u32 $0x8000, s30;
	s17 =	sadd.s32 $0x20, s31;
	s16 =	sor.u32 $0x8000, s16  }
.LBB1_3:
0x26: {  	s19 =	sshll.u32 s18, $0xD  }
0x27: {  	s19 =	sand.u32 $0x3FFFE000, s19  }
0x28: {  	s21 =	sadd.s32 s19, s17  }
0x29: {  	s31 =	smul.u32 $0x8100, s18;
	v3 =	vld [tilespmem:s21+$0x10]  }
0x2a: {  	v1 =	vld [tilespmem:s21+$0xFFFFFFF0]  }
0x2b: {  	s18 =	sshra.s32 s31, $0x2;
	v0 =	vld [tilespmem:s21+$0x0]  }
0x2c: {  	s18 =	sadd.s32 s18, s16;
	v2 =	vld [tilespmem:s21+$0xFFFFFFE0]  }
0x2d: {  	s19 =	sadd.s32 $0x0, s18  }
0x2e: {  	p1 =	por p2, p2;
	s20 =	simm.s32 $0x4;
	s21 =	sadd.s32 $0x40, s21;
	[tilespmem:s19+$0x1830 ss:$0x81] =	vst.msk $0xffff, v3  }
.LBB1_4:
0x2f: {  	v3 =	vld [tilespmem:s21+$0x10];
	p2 =	sne.s32 s20, $0x1FC;
	[tilespmem:s19+$0x810 ss:$0x81] =	vst.msk $0xffff, v1;
	s22 =	smov.u32 s20;
	s20 =	sadd.s32 $0x4, s20  }
.Ltmp3:
0x30: {  	v1 =	vld [tilespmem:s21+$0xFFFFFFF0];
	[tilespmem:s19+$0x1020 ss:$0x81] =	vst.msk $0xffff, v0;
	(pc) =	sbr.rel @p2 .LBB1_4-.Ltmp3, $4  }
0x31: {  	v0 =	vld [tilespmem:s21+$0x0];
	[tilespmem:s19+$0x0 ss:$0x81] =	vst.msk $0xffff, v2  }
0x32: {  	s19 =	sshra.s32 s22, $0x2;
	v2 =	vld [tilespmem:s21+$0xFFFFFFE0]  }
0x33: {  	s19 =	sadd.s32 s19, s18  }
0x34: {  	s21 =	sadd.s32 $0x40, s21;
	[tilespmem:s19+$0x1830 ss:$0x81] =	vst.msk $0xffff, v3  }
.Ltmp4:
0x35: {  	(pc) =	sbr.rel @p1 .LBB1_3-.Ltmp4, $4  }
0x36: {  	_ = 	snop  }
0x37: {  	[tilespmem:s19+$0x810 ss:$0x81] =	vst.msk $0xffff, v1  }
0x38: {  	[tilespmem:s19+$0x1020 ss:$0x81] =	vst.msk $0xffff, v0  }
0x39: {  	s18 =	simm.s32 $0x1;
	p2 =	por $0x0, $0x0;
	[tilespmem:s19+$0x0 ss:$0x81] =	vst.msk $0xffff, v2  }
.Ltmp5:
0x3a: {  	(pc) =	sbr.rel .LBB1_7-.Ltmp5, $4  }
0x3b: {  	s14 =	sshll.u32 s14, $0xF  }
0x3c: {  	s14 =	sadd.s32 s3, s14  }
0x3d: {  	s13 =	sadd.s32 s13, s14  }
0x3e: {  	[hbm4b:s13+s9] =	stream.strided.scatter [tilespmem:s15], [sflag:$0x2], $0x4000, s10, s9, $0x20;
	[tilespmem:$0x10100] =	vst v63  }
.LBB1_8:
0x3f: {  	_ =	sfence.sel $0x180000  }
0x40: {  	s2 =	simm.s32 $0x1;
	[bflag:$0x0] =	sbarrier.arrive $0xFFFF  }
0x41: {  	s31 =	simm.s32 $0x2;
	[sflag:s2] =	ssyncpa.u1 $0x1  }
0x42: {  	[sflag:s31] =	ssyncpa.u1 $0x1  }
0x43: {  	p0 =	sne.s32 s0, $0x0;
	_ =	strace $0x9000004A  }
0x44: {  	s0 =	sadd.s32 @!p0 $0x100000, s1;
	[bflag:$0x2] =	sbarrier.arrive $0xFFFF  }
0x45: {  	[sflag:s0] =	ssyncadd.tile.s32 @!p0 $0x1;
	_ =	shalt  }
.Lfunc_end1:
_tile_overlayer_lowered:
.L_overlay_start_2:
0x46: {  	(tag) =	ssettag $0x2  }
0x47: {  	s0 =	rddreg [dreg:$0x0];
	s2 =	stileid.u32  }
0x48: {  	s1 =	rddreg [dreg:$0x1];
	p0 =	sne.s32 s2, $0x0  }
0x49: {  	s3 =	rddreg [dreg:$0x2];
	[bflag:$0x3] =	sbarrier.arrive $0xFFFF;
	s2 =	simm.s32 @!p0 $0x1C01  }
0x4a: {  	[timem:s3], [sflag:s2] =	dma.local @!p0 [hbm:s0], s1  }
0x4b: {  	s0 =	simm.s32 @!p0 $0x1  }
0x4c: {  	_ =	swait.ge @!p0 [sflag:s0], s1  }
0x4d: {  	s1 =	ssub.s32 @!p0 $0x0, s1;
	[sflag:s0] =	ssyncset.done @!p0 $0x0  }
0x4e: {  	[sflag:s0] =	ssyncadd.s32 @!p0 s1  }
0x4f: {  	[bflag:$0x3] =	sbarrier.arrive $0xFFFF  }
0x50: {  	_ =	shalt  }

</sc_bundles>
